<compile_context>
chip_gen: v7x
topology: tpu7x:2x2x1
jax: 0.10.2.dev20260603
libtpu: 0.0.44.dev20260713+nightly
codegen_flags: <defaults>
</compile_context>

<pallas_src>
import functools

import jax
import jax.numpy as jnp
from jax import lax
from jax.experimental import pallas as pl
from jax.experimental.pallas import tpu as pltpu
from jax.experimental.pallas import tpu_sc as plsc

_B = 1024
_DIM = 128
_R = 65536
_T = 0.1
_W = 2048
_NB = _R // _W
_GRID = _NB + 1
_NW = 32
_S = _R // _NW
_NCH = 8
_CW = _R // 2 // _NCH


def _prep_body(k_ref, knt_ref):
    k = k_ref[...]
    kn = k / jnp.maximum(jnp.sqrt(jnp.sum(k * k, axis=1, keepdims=True)), 1e-12)
    knt_ref[...] = kn.T


def _prologue(k, interpret=False):
    return pl.pallas_call(
        _prep_body,
        out_shape=jax.ShapeDtypeStruct((_DIM, _B), jnp.float32),
        interpret=interpret,
    )(k)


def _logits_body(q_ref, k_ref, qb_ref, logits_ref, qn_s_ref, lpos_ref,
                 prev_ref):
    b = pl.program_id(0)

    @pl.when(b == 0)
    def _():
        q = q_ref[...]
        k = k_ref[...]
        qn = q / jnp.maximum(jnp.sqrt(jnp.sum(q * q, axis=1, keepdims=True)),
                             1e-12)
        kn = k / jnp.maximum(jnp.sqrt(jnp.sum(k * k, axis=1, keepdims=True)),
                             1e-12)
        lpos_ref[...] = jnp.sum(qn * kn, axis=1, keepdims=True) * (1.0 / _T)
        qn_s_ref[...] = (qn * (1.0 / _T)).astype(jnp.bfloat16)

    qb = qb_ref[...].astype(jnp.bfloat16)
    shifted = jnp.concatenate([prev_ref[...], qb[:, :_W - 1]], axis=1)
    logits_ref[...] = jnp.dot(qn_s_ref[...], shifted,
                              preferred_element_type=jnp.float32)
    prev_ref[...] = qb[:, _W - 1:]

    @pl.when(b == 0)
    def _():
        logits_ref[:, 0:1] = lpos_ref[...]


def _logits(q, k, queue, interpret=False):
    return pl.pallas_call(
        _logits_body,
        grid=(_GRID,),
        in_specs=[
            pl.BlockSpec((_B, _DIM), lambda b: (0, 0)),
            pl.BlockSpec((_B, _DIM), lambda b: (0, 0)),
            pl.BlockSpec((_DIM, _W), lambda b: (0, jnp.minimum(b, _NB - 1))),
        ],
        out_specs=pl.BlockSpec((_B, _W), lambda b: (0, b)),
        out_shape=jax.ShapeDtypeStruct((_B, _R + 1), jnp.float32),
        scratch_shapes=[
            pltpu.VMEM((_B, _DIM), jnp.bfloat16),
            pltpu.VMEM((_B, 1), jnp.float32),
            pltpu.VMEM((_DIM, 1), jnp.bfloat16),
        ],
        compiler_params=pltpu.CompilerParams(
            dimension_semantics=("arbitrary",),
        ),
        interpret=interpret,
    )(q, k, queue)


def _scatter_body(queue_hbm, knt_hbm, idx_hbm, qidx_hbm, ptr_hbm,
                  nq_hbm, nqi_hbm, buf0, buf1, knt_v, idx_v, qidx_v, ptr_vmem,
                  rd0, rd1, wr0, wr1, aux):
    wid = lax.axis_index("s") * 2 + lax.axis_index("c")
    g = wid // 2
    h = wid % 2
    r0 = g * 8
    h0 = h * (_R // 2)
    c0 = wid * _S
    bufs, rds, wrs = (buf0, buf1), (rd0, rd1), (wr0, wr1)

    def rd(i):
        return pltpu.make_async_copy(
            queue_hbm.at[pl.ds(r0, 8), pl.ds(h0 + i * _CW, _CW)], bufs[i % 2],
            rds[i % 2])

    def wr(i):
        return pltpu.make_async_copy(
            bufs[i % 2], nq_hbm.at[pl.ds(r0, 8), pl.ds(h0 + i * _CW, _CW)],
            wrs[i % 2])

    rd(0).start()
    rd(1).start()
    for i in range(_NCH):
        rd(i).wait()
        wr(i).start()
        if i + 2 < _NCH:
            wr(i).wait()
            rd(i + 2).start()
    wr(_NCH - 2).wait()
    wr(_NCH - 1).wait()

    cp = pltpu.make_async_copy(ptr_hbm, ptr_vmem, aux)
    cp.start()
    cp.wait()
    p = pl.multiple_of(jnp.max(ptr_vmem[...]), 128)

    cp = pltpu.make_async_copy(knt_hbm.at[pl.ds(r0, 8), :], knt_v, aux)
    cp.start()
    cp.wait()
    cp = pltpu.make_async_copy(knt_v, nq_hbm.at[pl.ds(r0, 8), pl.ds(p, _B)],
                               aux)
    cp.start()
    cp.wait()

    cp = pltpu.make_async_copy(qidx_hbm.at[pl.ds(c0, _S)], qidx_v, aux)
    cp.start()
    cp.wait()
    cp = pltpu.make_async_copy(qidx_v, nqi_hbm.at[pl.ds(c0, _S)], aux)
    cp.start()
    cp.wait()

    @pl.when((p < c0 + _S) & (p + _B > c0))
    def _():
        cp = pltpu.make_async_copy(idx_hbm, idx_v, aux)
        cp.start()
        cp.wait()
        cp = pltpu.make_async_copy(idx_v, nqi_hbm.at[pl.ds(p, _B)], aux)
        cp.start()
        cp.wait()


_scatter = functools.partial(
    pl.kernel,
    mesh=plsc.VectorSubcoreMesh(core_axis_name="c", subcore_axis_name="s"),
    out_type=[
        jax.ShapeDtypeStruct((_DIM, _R), jnp.float32),
        jax.ShapeDtypeStruct((_R,), jnp.int32),
    ],
    scratch_types=[
        pltpu.VMEM((8, _CW), jnp.float32),
        pltpu.VMEM((8, _CW), jnp.float32),
        pltpu.VMEM((8, _B), jnp.float32),
        pltpu.VMEM((_B,), jnp.int32),
        pltpu.VMEM((_S,), jnp.int32),
        pltpu.VMEM((16,), jnp.int32),
        pltpu.SemaphoreType.DMA,
        pltpu.SemaphoreType.DMA,
        pltpu.SemaphoreType.DMA,
        pltpu.SemaphoreType.DMA,
        pltpu.SemaphoreType.DMA,
    ],
    compiler_params=pltpu.CompilerParams(needs_layout_passes=False),
)(_scatter_body)


def kernel(q, k, queue, index, queue_index, ptr, interpret=False):
    knt = _prologue(k, interpret=interpret)
    ptr_c = jnp.clip(jnp.asarray(ptr, jnp.int32), 0, _R - _B)
    nq, nqi = _scatter(queue, knt, index, queue_index,
                       jnp.full((16,), ptr_c, jnp.int32))
    logits = _logits(q, k, queue, interpret=interpret)
    return logits, nq, nqi

# --- scband reference (transcript-rebuilt; emitter-appended) ---
"""Pipeline reference for scband-mo-co-37709812859386 (READ-ONLY COPY).

The authoritative reference and input builder live on the scoring server;
editing this copy changes nothing except your own understanding.
"""

import jax, jax.numpy as jnp
import numpy as np

B = 1024
DIM = 128
R = 65536
T = 0.1

def _l2norm(x, axis):
    n = jnp.linalg.norm(x, axis=axis, keepdims=True)
    return x / jnp.clip(n, 1e-12)

def setup_inputs(seed: int = 0) -> dict:
    key = jax.random.key(seed)
    k1, k2, k3, k4 = jax.random.split(key, 4)
    q = jax.random.normal(k1, (B, DIM), dtype=jnp.float32)
    k = jax.random.normal(k2, (B, DIM), dtype=jnp.float32)
    queue = jax.random.normal(k3, (DIM, R), dtype=jnp.float32)
    queue = _l2norm(queue, axis=0)  # matches register_buffer + normalize(dim=0)
    index = jax.random.randint(k4, (B,), 0, R, dtype=jnp.int32)
    queue_index = jnp.arange(R, dtype=jnp.int32)
    return {"q": q, "k": k, "queue": queue, "index": index, "queue_index": queue_index, "ptr": 0}

def reference(q, k, queue, index, queue_index, ptr):
    # q = normalize(encoder_q(im_q)); k = normalize(encoder_k(im_k)) (encoders stubbed)
    qn = _l2norm(q, axis=1)
    kn = _l2norm(k, axis=1)
    # positive logits: Nx1
    l_pos = jnp.einsum('nc,nc->n', qn, kn)[:, None]
    # negative logits against the queue: NxR
    l_neg = jnp.einsum('nc,ck->nk', qn, queue)
    logits = jnp.concatenate([l_pos, l_neg], axis=1) / T
    # _dequeue_and_enqueue: scatter-overwrite queue columns [ptr:ptr+B] with k.T
    new_queue = jax.lax.dynamic_update_slice(queue, kn.T, (0, ptr))
    new_queue_index = jax.lax.dynamic_update_slice(queue_index, index, (ptr,))
    return logits, new_queue, new_queue_index

if __name__ == "__main__":
    import jax
    _d = setup_inputs()
    print(jax.jit(kernel)(*tuple(_d.values())))

</pallas_src>

<mosaic_0001>
#map = affine_map<(d0, d1) -> (0, 0)>
#map1 = affine_map<(d0, d1) -> (0)>
module attributes {stable_mosaic.version = 14 : i64} {
  func.func @_scatter_body(%arg0: i32, %arg1: i32, %arg2: memref<128x65536xf32, #tpu.memory_space<hbm>>, %arg3: memref<128x1024xf32, #tpu.memory_space<hbm>>, %arg4: memref<1024xi32, #tpu.memory_space<hbm>>, %arg5: memref<65536xi32, #tpu.memory_space<hbm>>, %arg6: memref<16xi32, #tpu.memory_space<hbm>>, %arg7: memref<128x65536xf32, #tpu.memory_space<hbm>>, %arg8: memref<65536xi32, #tpu.memory_space<hbm>>, %arg9: memref<8x4096xf32, #tpu.memory_space<vmem>>, %arg10: memref<8x4096xf32, #tpu.memory_space<vmem>>, %arg11: memref<8x1024xf32, #tpu.memory_space<vmem>>, %arg12: memref<1024xi32, #tpu.memory_space<vmem>>, %arg13: memref<2048xi32, #tpu.memory_space<vmem>>, %arg14: memref<16xi32, #tpu.memory_space<vmem>>, %arg15: memref<!tpu.dma_semaphore, #tpu.memory_space<semaphore_mem>>, %arg16: memref<!tpu.dma_semaphore, #tpu.memory_space<semaphore_mem>>, %arg17: memref<!tpu.dma_semaphore, #tpu.memory_space<semaphore_mem>>, %arg18: memref<!tpu.dma_semaphore, #tpu.memory_space<semaphore_mem>>, %arg19: memref<!tpu.dma_semaphore, #tpu.memory_space<semaphore_mem>>) attributes {dimension_semantics = [#tpu.dimension_semantics<core_parallel>, #tpu.dimension_semantics<subcore_parallel>], iteration_bounds = array<i64: 2, 16>, scalar_prefetch = 0 : i64, scratch_operands = 11 : i64, tpu.core_type = #tpu.core_type<sc_vector_subcore>, window_params = [{transform_indices = #map}, {transform_indices = #map}, {transform_indices = #map1}, {transform_indices = #map1}, {transform_indices = #map1}, {transform_indices = #map}, {transform_indices = #map1}]} {
    %mul3A = arith.constant 2 : i32
    %mul3A_0 = arith.muli %arg1, %mul3A : i32
    %add3A = arith.addi %mul3A_0, %arg0 : i32
    %jit3A = arith.constant 2 : i32
    %div3A = arith.divsi %add3A, %jit3A : i32
    %sign3A = arith.constant 0 : i32
    %sign3A_1 = arith.cmpi sgt, %add3A, %sign3A : i32
    %sign3A_2 = arith.extui %sign3A_1 : i1 to i32
    %sign3A_3 = arith.constant 0 : i32
    %sign3A_4 = arith.cmpi slt, %add3A, %sign3A_3 : i32
    %sign3A_5 = arith.extui %sign3A_4 : i1 to i32
    %sign3A_6 = arith.subi %sign3A_2, %sign3A_5 : i32
    %sign3A_7 = arith.constant 0 : i32
    %sign3A_8 = arith.cmpi sgt, %jit3A, %sign3A_7 : i32
    %sign3A_9 = arith.extui %sign3A_8 : i1 to i32
    %sign3A_10 = arith.constant 0 : i32
    %sign3A_11 = arith.cmpi slt, %jit3A, %sign3A_10 : i32
    %sign3A_12 = arith.extui %sign3A_11 : i1 to i32
    %sign3A_13 = arith.subi %sign3A_9, %sign3A_12 : i32
    %ne3A = arith.cmpi ne, %sign3A_6, %sign3A_13 : i32
    %rem3A = arith.remsi %add3A, %jit3A : i32
    %ne3A_14 = arith.constant 0 : i32
    %ne3A_15 = arith.cmpi ne, %rem3A, %ne3A_14 : i32
    %and3A = arith.andi %ne3A, %ne3A_15 : i1
    %sub3A = arith.constant 1 : i32
    %sub3A_16 = arith.subi %div3A, %sub3A : i32
    %select_n3A = arith.select %and3A, %sub3A_16, %div3A : i32
    %jit3A_17 = arith.constant 2 : i32
    %eq3A = arith.constant 0 : i32
    %eq3A_18 = arith.cmpi eq, %jit3A_17, %eq3A : i32
    %jit3A_19 = arith.constant 1 : i32
    %select_n3A_20 = arith.select %eq3A_18, %jit3A_19, %jit3A_17 : i32
    %rem3A_21 = arith.remsi %add3A, %select_n3A_20 : i32
    %ne3A_22 = arith.constant 0 : i32
    %ne3A_23 = arith.cmpi ne, %rem3A_21, %ne3A_22 : i32
    %lt3A = arith.constant 0 : i32
    %lt3A_24 = arith.cmpi slt, %rem3A_21, %lt3A : i32
    %lt3A_25 = arith.constant 0 : i32
    %lt3A_26 = arith.cmpi slt, %select_n3A_20, %lt3A_25 : i32
    %ne3A_27 = arith.xori %lt3A_24, %lt3A_26 : i1
    %and3A_28 = arith.andi %ne3A_27, %ne3A_23 : i1
    %add3A_29 = arith.addi %rem3A_21, %select_n3A_20 : i32
    %select_n3A_30 = arith.select %and3A_28, %add3A_29, %rem3A_21 : i32
    %mul3A_31 = arith.constant 8 : i32
    %mul3A_32 = arith.muli %select_n3A, %mul3A_31 : i32
    %mul3A_33 = arith.constant 32768 : i32
    %mul3A_34 = arith.muli %select_n3A_30, %mul3A_33 : i32
    %mul3A_35 = arith.constant 2048 : i32
    %mul3A_36 = arith.muli %add3A, %mul3A_35 : i32
    %add3A_37 = arith.constant 0 : i32
    %add3A_38 = arith.addi %mul3A_34, %add3A_37 : i32
    %dma_start3A = tpu.memref_slice %arg2[%mul3A_32, %add3A_38] : memref<128x65536xf32, #tpu.memory_space<hbm>> -> memref<8x4096xf32, #tpu.memory_space<hbm>>
    %dma_start3A_39 = tpu.memref_slice %arg2[%mul3A_32, %add3A_38] : memref<128x65536xf32, #tpu.memory_space<hbm>> -> memref<8x4096xf32, #tpu.memory_space<hbm>>
    tpu.enqueue_dma source(%dma_start3A_39 : memref<8x4096xf32, #tpu.memory_space<hbm>>) target(%arg9 : memref<8x4096xf32, #tpu.memory_space<vmem>>) target_semaphore(%arg15 : memref<!tpu.dma_semaphore, #tpu.memory_space<semaphore_mem>>)
    %add3A_40 = arith.constant 4096 : i32
    %add3A_41 = arith.addi %mul3A_34, %add3A_40 : i32
    %dma_start3A_42 = tpu.memref_slice %arg2[%mul3A_32, %add3A_41] : memref<128x65536xf32, #tpu.memory_space<hbm>> -> memref<8x4096xf32, #tpu.memory_space<hbm>>
    %dma_start3A_43 = tpu.memref_slice %arg2[%mul3A_32, %add3A_41] : memref<128x65536xf32, #tpu.memory_space<hbm>> -> memref<8x4096xf32, #tpu.memory_space<hbm>>
    tpu.enqueue_dma source(%dma_start3A_43 : memref<8x4096xf32, #tpu.memory_space<hbm>>) target(%arg10 : memref<8x4096xf32, #tpu.memory_space<vmem>>) target_semaphore(%arg16 : memref<!tpu.dma_semaphore, #tpu.memory_space<semaphore_mem>>)
    %add3A_44 = arith.constant 0 : i32
    %add3A_45 = arith.addi %mul3A_34, %add3A_44 : i32
    %dma_wait3A = tpu.memref_slice %arg2[%mul3A_32, %add3A_45] : memref<128x65536xf32, #tpu.memory_space<hbm>> -> memref<8x4096xf32, #tpu.memory_space<hbm>>
    %dma_wait3A_46 = tpu.memref_slice %arg2[%mul3A_32, %add3A_45] : memref<128x65536xf32, #tpu.memory_space<hbm>> -> memref<8x4096xf32, #tpu.memory_space<hbm>>
    tpu.wait_dma2 semaphore(%arg15 : memref<!tpu.dma_semaphore, #tpu.memory_space<semaphore_mem>>) src(%dma_wait3A_46 : memref<8x4096xf32, #tpu.memory_space<hbm>>) dst(%arg9 : memref<8x4096xf32, #tpu.memory_space<vmem>>)
    %add3A_47 = arith.constant 0 : i32
    %add3A_48 = arith.addi %mul3A_34, %add3A_47 : i32
    %dma_start3A_49 = tpu.memref_slice %arg7[%mul3A_32, %add3A_48] : memref<128x65536xf32, #tpu.memory_space<hbm>> -> memref<8x4096xf32, #tpu.memory_space<hbm>>
    %dma_start3A_50 = tpu.memref_slice %arg7[%mul3A_32, %add3A_48] : memref<128x65536xf32, #tpu.memory_space<hbm>> -> memref<8x4096xf32, #tpu.memory_space<hbm>>
    tpu.enqueue_dma source(%arg9 : memref<8x4096xf32, #tpu.memory_space<vmem>>) target(%dma_start3A_50 : memref<8x4096xf32, #tpu.memory_space<hbm>>) target_semaphore(%arg17 : memref<!tpu.dma_semaphore, #tpu.memory_space<semaphore_mem>>)
    %add3A_51 = arith.constant 0 : i32
    %add3A_52 = arith.addi %mul3A_34, %add3A_51 : i32
    %dma_wait3A_53 = tpu.memref_slice %arg7[%mul3A_32, %add3A_52] : memref<128x65536xf32, #tpu.memory_space<hbm>> -> memref<8x4096xf32, #tpu.memory_space<hbm>>
    %dma_wait3A_54 = tpu.memref_slice %arg7[%mul3A_32, %add3A_52] : memref<128x65536xf32, #tpu.memory_space<hbm>> -> memref<8x4096xf32, #tpu.memory_space<hbm>>
    tpu.wait_dma2 semaphore(%arg17 : memref<!tpu.dma_semaphore, #tpu.memory_space<semaphore_mem>>) src(%arg9 : memref<8x4096xf32, #tpu.memory_space<vmem>>) dst(%dma_wait3A_54 : memref<8x4096xf32, #tpu.memory_space<hbm>>)
    %add3A_55 = arith.constant 8192 : i32
    %add3A_56 = arith.addi %mul3A_34, %add3A_55 : i32
    %dma_start3A_57 = tpu.memref_slice %arg2[%mul3A_32, %add3A_56] : memref<128x65536xf32, #tpu.memory_space<hbm>> -> memref<8x4096xf32, #tpu.memory_space<hbm>>
    %dma_start3A_58 = tpu.memref_slice %arg2[%mul3A_32, %add3A_56] : memref<128x65536xf32, #tpu.memory_space<hbm>> -> memref<8x4096xf32, #tpu.memory_space<hbm>>
    tpu.enqueue_dma source(%dma_start3A_58 : memref<8x4096xf32, #tpu.memory_space<hbm>>) target(%arg9 : memref<8x4096xf32, #tpu.memory_space<vmem>>) target_semaphore(%arg15 : memref<!tpu.dma_semaphore, #tpu.memory_space<semaphore_mem>>)
    %add3A_59 = arith.constant 4096 : i32
    %add3A_60 = arith.addi %mul3A_34, %add3A_59 : i32
    %dma_wait3A_61 = tpu.memref_slice %arg2[%mul3A_32, %add3A_60] : memref<128x65536xf32, #tpu.memory_space<hbm>> -> memref<8x4096xf32, #tpu.memory_space<hbm>>
    %dma_wait3A_62 = tpu.memref_slice %arg2[%mul3A_32, %add3A_60] : memref<128x65536xf32, #tpu.memory_space<hbm>> -> memref<8x4096xf32, #tpu.memory_space<hbm>>
    tpu.wait_dma2 semaphore(%arg16 : memref<!tpu.dma_semaphore, #tpu.memory_space<semaphore_mem>>) src(%dma_wait3A_62 : memref<8x4096xf32, #tpu.memory_space<hbm>>) dst(%arg10 : memref<8x4096xf32, #tpu.memory_space<vmem>>)
    %add3A_63 = arith.constant 4096 : i32
    %add3A_64 = arith.addi %mul3A_34, %add3A_63 : i32
    %dma_start3A_65 = tpu.memref_slice %arg7[%mul3A_32, %add3A_64] : memref<128x65536xf32, #tpu.memory_space<hbm>> -> memref<8x4096xf32, #tpu.memory_space<hbm>>
    %dma_start3A_66 = tpu.memref_slice %arg7[%mul3A_32, %add3A_64] : memref<128x65536xf32, #tpu.memory_space<hbm>> -> memref<8x4096xf32, #tpu.memory_space<hbm>>
    tpu.enqueue_dma source(%arg10 : memref<8x4096xf32, #tpu.memory_space<vmem>>) target(%dma_start3A_66 : memref<8x4096xf32, #tpu.memory_space<hbm>>) target_semaphore(%arg18 : memref<!tpu.dma_semaphore, #tpu.memory_space<semaphore_mem>>)
    %add3A_67 = arith.constant 4096 : i32
    %add3A_68 = arith.addi %mul3A_34, %add3A_67 : i32
    %dma_wait3A_69 = tpu.memref_slice %arg7[%mul3A_32, %add3A_68] : memref<128x65536xf32, #tpu.memory_space<hbm>> -> memref<8x4096xf32, #tpu.memory_space<hbm>>
    %dma_wait3A_70 = tpu.memref_slice %arg7[%mul3A_32, %add3A_68] : memref<128x65536xf32, #tpu.memory_space<hbm>> -> memref<8x4096xf32, #tpu.memory_space<hbm>>
    tpu.wait_dma2 semaphore(%arg18 : memref<!tpu.dma_semaphore, #tpu.memory_space<semaphore_mem>>) src(%arg10 : memref<8x4096xf32, #tpu.memory_space<vmem>>) dst(%dma_wait3A_70 : memref<8x4096xf32, #tpu.memory_space<hbm>>)
    %add3A_71 = arith.constant 12288 : i32
    %add3A_72 = arith.addi %mul3A_34, %add3A_71 : i32
    %dma_start3A_73 = tpu.memref_slice %arg2[%mul3A_32, %add3A_72] : memref<128x65536xf32, #tpu.memory_space<hbm>> -> memref<8x4096xf32, #tpu.memory_space<hbm>>
    %dma_start3A_74 = tpu.memref_slice %arg2[%mul3A_32, %add3A_72] : memref<128x65536xf32, #tpu.memory_space<hbm>> -> memref<8x4096xf32, #tpu.memory_space<hbm>>
    tpu.enqueue_dma source(%dma_start3A_74 : memref<8x4096xf32, #tpu.memory_space<hbm>>) target(%arg10 : memref<8x4096xf32, #tpu.memory_space<vmem>>) target_semaphore(%arg16 : memref<!tpu.dma_semaphore, #tpu.memory_space<semaphore_mem>>)
    %add3A_75 = arith.constant 8192 : i32
    %add3A_76 = arith.addi %mul3A_34, %add3A_75 : i32
    %dma_wait3A_77 = tpu.memref_slice %arg2[%mul3A_32, %add3A_76] : memref<128x65536xf32, #tpu.memory_space<hbm>> -> memref<8x4096xf32, #tpu.memory_space<hbm>>
    %dma_wait3A_78 = tpu.memref_slice %arg2[%mul3A_32, %add3A_76] : memref<128x65536xf32, #tpu.memory_space<hbm>> -> memref<8x4096xf32, #tpu.memory_space<hbm>>
    tpu.wait_dma2 semaphore(%arg15 : memref<!tpu.dma_semaphore, #tpu.memory_space<semaphore_mem>>) src(%dma_wait3A_78 : memref<8x4096xf32, #tpu.memory_space<hbm>>) dst(%arg9 : memref<8x4096xf32, #tpu.memory_space<vmem>>)
    %add3A_79 = arith.constant 8192 : i32
    %add3A_80 = arith.addi %mul3A_34, %add3A_79 : i32
    %dma_start3A_81 = tpu.memref_slice %arg7[%mul3A_32, %add3A_80] : memref<128x65536xf32, #tpu.memory_space<hbm>> -> memref<8x4096xf32, #tpu.memory_space<hbm>>
    %dma_start3A_82 = tpu.memref_slice %arg7[%mul3A_32, %add3A_80] : memref<128x65536xf32, #tpu.memory_space<hbm>> -> memref<8x4096xf32, #tpu.memory_space<hbm>>
    tpu.enqueue_dma source(%arg9 : memref<8x4096xf32, #tpu.memory_space<vmem>>) target(%dma_start3A_82 : memref<8x4096xf32, #tpu.memory_space<hbm>>) target_semaphore(%arg17 : memref<!tpu.dma_semaphore, #tpu.memory_space<semaphore_mem>>)
    %add3A_83 = arith.constant 8192 : i32
    %add3A_84 = arith.addi %mul3A_34, %add3A_83 : i32
    %dma_wait3A_85 = tpu.memref_slice %arg7[%mul3A_32, %add3A_84] : memref<128x65536xf32, #tpu.memory_space<hbm>> -> memref<8x4096xf32, #tpu.memory_space<hbm>>
    %dma_wait3A_86 = tpu.memref_slice %arg7[%mul3A_32, %add3A_84] : memref<128x65536xf32, #tpu.memory_space<hbm>> -> memref<8x4096xf32, #tpu.memory_space<hbm>>
    tpu.wait_dma2 semaphore(%arg17 : memref<!tpu.dma_semaphore, #tpu.memory_space<semaphore_mem>>) src(%arg9 : memref<8x4096xf32, #tpu.memory_space<vmem>>) dst(%dma_wait3A_86 : memref<8x4096xf32, #tpu.memory_space<hbm>>)
    %add3A_87 = arith.constant 16384 : i32
    %add3A_88 = arith.addi %mul3A_34, %add3A_87 : i32
    %dma_start3A_89 = tpu.memref_slice %arg2[%mul3A_32, %add3A_88] : memref<128x65536xf32, #tpu.memory_space<hbm>> -> memref<8x4096xf32, #tpu.memory_space<hbm>>
    %dma_start3A_90 = tpu.memref_slice %arg2[%mul3A_32, %add3A_88] : memref<128x65536xf32, #tpu.memory_space<hbm>> -> memref<8x4096xf32, #tpu.memory_space<hbm>>
    tpu.enqueue_dma source(%dma_start3A_90 : memref<8x4096xf32, #tpu.memory_space<hbm>>) target(%arg9 : memref<8x4096xf32, #tpu.memory_space<vmem>>) target_semaphore(%arg15 : memref<!tpu.dma_semaphore, #tpu.memory_space<semaphore_mem>>)
    %add3A_91 = arith.constant 12288 : i32
    %add3A_92 = arith.addi %mul3A_34, %add3A_91 : i32
    %dma_wait3A_93 = tpu.memref_slice %arg2[%mul3A_32, %add3A_92] : memref<128x65536xf32, #tpu.memory_space<hbm>> -> memref<8x4096xf32, #tpu.memory_space<hbm>>
    %dma_wait3A_94 = tpu.memref_slice %arg2[%mul3A_32, %add3A_92] : memref<128x65536xf32, #tpu.memory_space<hbm>> -> memref<8x4096xf32, #tpu.memory_space<hbm>>
    tpu.wait_dma2 semaphore(%arg16 : memref<!tpu.dma_semaphore, #tpu.memory_space<semaphore_mem>>) src(%dma_wait3A_94 : memref<8x4096xf32, #tpu.memory_space<hbm>>) dst(%arg10 : memref<8x4096xf32, #tpu.memory_space<vmem>>)
    %add3A_95 = arith.constant 12288 : i32
    %add3A_96 = arith.addi %mul3A_34, %add3A_95 : i32
    %dma_start3A_97 = tpu.memref_slice %arg7[%mul3A_32, %add3A_96] : memref<128x65536xf32, #tpu.memory_space<hbm>> -> memref<8x4096xf32, #tpu.memory_space<hbm>>
    %dma_start3A_98 = tpu.memref_slice %arg7[%mul3A_32, %add3A_96] : memref<128x65536xf32, #tpu.memory_space<hbm>> -> memref<8x4096xf32, #tpu.memory_space<hbm>>
    tpu.enqueue_dma source(%arg10 : memref<8x4096xf32, #tpu.memory_space<vmem>>) target(%dma_start3A_98 : memref<8x4096xf32, #tpu.memory_space<hbm>>) target_semaphore(%arg18 : memref<!tpu.dma_semaphore, #tpu.memory_space<semaphore_mem>>)
    %add3A_99 = arith.constant 12288 : i32
    %add3A_100 = arith.addi %mul3A_34, %add3A_99 : i32
    %dma_wait3A_101 = tpu.memref_slice %arg7[%mul3A_32, %add3A_100] : memref<128x65536xf32, #tpu.memory_space<hbm>> -> memref<8x4096xf32, #tpu.memory_space<hbm>>
    %dma_wait3A_102 = tpu.memref_slice %arg7[%mul3A_32, %add3A_100] : memref<128x65536xf32, #tpu.memory_space<hbm>> -> memref<8x4096xf32, #tpu.memory_space<hbm>>
    tpu.wait_dma2 semaphore(%arg18 : memref<!tpu.dma_semaphore, #tpu.memory_space<semaphore_mem>>) src(%arg10 : memref<8x4096xf32, #tpu.memory_space<vmem>>) dst(%dma_wait3A_102 : memref<8x4096xf32, #tpu.memory_space<hbm>>)
    %add3A_103 = arith.constant 20480 : i32
    %add3A_104 = arith.addi %mul3A_34, %add3A_103 : i32
    %dma_start3A_105 = tpu.memref_slice %arg2[%mul3A_32, %add3A_104] : memref<128x65536xf32, #tpu.memory_space<hbm>> -> memref<8x4096xf32, #tpu.memory_space<hbm>>
    %dma_start3A_106 = tpu.memref_slice %arg2[%mul3A_32, %add3A_104] : memref<128x65536xf32, #tpu.memory_space<hbm>> -> memref<8x4096xf32, #tpu.memory_space<hbm>>
    tpu.enqueue_dma source(%dma_start3A_106 : memref<8x4096xf32, #tpu.memory_space<hbm>>) target(%arg10 : memref<8x4096xf32, #tpu.memory_space<vmem>>) target_semaphore(%arg16 : memref<!tpu.dma_semaphore, #tpu.memory_space<semaphore_mem>>)
    %add3A_107 = arith.constant 16384 : i32
    %add3A_108 = arith.addi %mul3A_34, %add3A_107 : i32
    %dma_wait3A_109 = tpu.memref_slice %arg2[%mul3A_32, %add3A_108] : memref<128x65536xf32, #tpu.memory_space<hbm>> -> memref<8x4096xf32, #tpu.memory_space<hbm>>
    %dma_wait3A_110 = tpu.memref_slice %arg2[%mul3A_32, %add3A_108] : memref<128x65536xf32, #tpu.memory_space<hbm>> -> memref<8x4096xf32, #tpu.memory_space<hbm>>
    tpu.wait_dma2 semaphore(%arg15 : memref<!tpu.dma_semaphore, #tpu.memory_space<semaphore_mem>>) src(%dma_wait3A_110 : memref<8x4096xf32, #tpu.memory_space<hbm>>) dst(%arg9 : memref<8x4096xf32, #tpu.memory_space<vmem>>)
    %add3A_111 = arith.constant 16384 : i32
    %add3A_112 = arith.addi %mul3A_34, %add3A_111 : i32
    %dma_start3A_113 = tpu.memref_slice %arg7[%mul3A_32, %add3A_112] : memref<128x65536xf32, #tpu.memory_space<hbm>> -> memref<8x4096xf32, #tpu.memory_space<hbm>>
    %dma_start3A_114 = tpu.memref_slice %arg7[%mul3A_32, %add3A_112] : memref<128x65536xf32, #tpu.memory_space<hbm>> -> memref<8x4096xf32, #tpu.memory_space<hbm>>
    tpu.enqueue_dma source(%arg9 : memref<8x4096xf32, #tpu.memory_space<vmem>>) target(%dma_start3A_114 : memref<8x4096xf32, #tpu.memory_space<hbm>>) target_semaphore(%arg17 : memref<!tpu.dma_semaphore, #tpu.memory_space<semaphore_mem>>)
    %add3A_115 = arith.constant 16384 : i32
    %add3A_116 = arith.addi %mul3A_34, %add3A_115 : i32
    %dma_wait3A_117 = tpu.memref_slice %arg7[%mul3A_32, %add3A_116] : memref<128x65536xf32, #tpu.memory_space<hbm>> -> memref<8x4096xf32, #tpu.memory_space<hbm>>
    %dma_wait3A_118 = tpu.memref_slice %arg7[%mul3A_32, %add3A_116] : memref<128x65536xf32, #tpu.memory_space<hbm>> -> memref<8x4096xf32, #tpu.memory_space<hbm>>
    tpu.wait_dma2 semaphore(%arg17 : memref<!tpu.dma_semaphore, #tpu.memory_space<semaphore_mem>>) src(%arg9 : memref<8x4096xf32, #tpu.memory_space<vmem>>) dst(%dma_wait3A_118 : memref<8x4096xf32, #tpu.memory_space<hbm>>)
    %add3A_119 = arith.constant 24576 : i32
    %add3A_120 = arith.addi %mul3A_34, %add3A_119 : i32
    %dma_start3A_121 = tpu.memref_slice %arg2[%mul3A_32, %add3A_120] : memref<128x65536xf32, #tpu.memory_space<hbm>> -> memref<8x4096xf32, #tpu.memory_space<hbm>>
    %dma_start3A_122 = tpu.memref_slice %arg2[%mul3A_32, %add3A_120] : memref<128x65536xf32, #tpu.memory_space<hbm>> -> memref<8x4096xf32, #tpu.memory_space<hbm>>
    tpu.enqueue_dma source(%dma_start3A_122 : memref<8x4096xf32, #tpu.memory_space<hbm>>) target(%arg9 : memref<8x4096xf32, #tpu.memory_space<vmem>>) target_semaphore(%arg15 : memref<!tpu.dma_semaphore, #tpu.memory_space<semaphore_mem>>)
    %add3A_123 = arith.constant 20480 : i32
    %add3A_124 = arith.addi %mul3A_34, %add3A_123 : i32
    %dma_wait3A_125 = tpu.memref_slice %arg2[%mul3A_32, %add3A_124] : memref<128x65536xf32, #tpu.memory_space<hbm>> -> memref<8x4096xf32, #tpu.memory_space<hbm>>
    %dma_wait3A_126 = tpu.memref_slice %arg2[%mul3A_32, %add3A_124] : memref<128x65536xf32, #tpu.memory_space<hbm>> -> memref<8x4096xf32, #tpu.memory_space<hbm>>
    tpu.wait_dma2 semaphore(%arg16 : memref<!tpu.dma_semaphore, #tpu.memory_space<semaphore_mem>>) src(%dma_wait3A_126 : memref<8x4096xf32, #tpu.memory_space<hbm>>) dst(%arg10 : memref<8x4096xf32, #tpu.memory_space<vmem>>)
    %add3A_127 = arith.constant 20480 : i32
    %add3A_128 = arith.addi %mul3A_34, %add3A_127 : i32
    %dma_start3A_129 = tpu.memref_slice %arg7[%mul3A_32, %add3A_128] : memref<128x65536xf32, #tpu.memory_space<hbm>> -> memref<8x4096xf32, #tpu.memory_space<hbm>>
    %dma_start3A_130 = tpu.memref_slice %arg7[%mul3A_32, %add3A_128] : memref<128x65536xf32, #tpu.memory_space<hbm>> -> memref<8x4096xf32, #tpu.memory_space<hbm>>
    tpu.enqueue_dma source(%arg10 : memref<8x4096xf32, #tpu.memory_space<vmem>>) target(%dma_start3A_130 : memref<8x4096xf32, #tpu.memory_space<hbm>>) target_semaphore(%arg18 : memref<!tpu.dma_semaphore, #tpu.memory_space<semaphore_mem>>)
    %add3A_131 = arith.constant 20480 : i32
    %add3A_132 = arith.addi %mul3A_34, %add3A_131 : i32
    %dma_wait3A_133 = tpu.memref_slice %arg7[%mul3A_32, %add3A_132] : memref<128x65536xf32, #tpu.memory_space<hbm>> -> memref<8x4096xf32, #tpu.memory_space<hbm>>
    %dma_wait3A_134 = tpu.memref_slice %arg7[%mul3A_32, %add3A_132] : memref<128x65536xf32, #tpu.memory_space<hbm>> -> memref<8x4096xf32, #tpu.memory_space<hbm>>
    tpu.wait_dma2 semaphore(%arg18 : memref<!tpu.dma_semaphore, #tpu.memory_space<semaphore_mem>>) src(%arg10 : memref<8x4096xf32, #tpu.memory_space<vmem>>) dst(%dma_wait3A_134 : memref<8x4096xf32, #tpu.memory_space<hbm>>)
    %add3A_135 = arith.constant 28672 : i32
    %add3A_136 = arith.addi %mul3A_34, %add3A_135 : i32
    %dma_start3A_137 = tpu.memref_slice %arg2[%mul3A_32, %add3A_136] : memref<128x65536xf32, #tpu.memory_space<hbm>> -> memref<8x4096xf32, #tpu.memory_space<hbm>>
    %dma_start3A_138 = tpu.memref_slice %arg2[%mul3A_32, %add3A_136] : memref<128x65536xf32, #tpu.memory_space<hbm>> -> memref<8x4096xf32, #tpu.memory_space<hbm>>
    tpu.enqueue_dma source(%dma_start3A_138 : memref<8x4096xf32, #tpu.memory_space<hbm>>) target(%arg10 : memref<8x4096xf32, #tpu.memory_space<vmem>>) target_semaphore(%arg16 : memref<!tpu.dma_semaphore, #tpu.memory_space<semaphore_mem>>)
    %add3A_139 = arith.constant 24576 : i32
    %add3A_140 = arith.addi %mul3A_34, %add3A_139 : i32
    %dma_wait3A_141 = tpu.memref_slice %arg2[%mul3A_32, %add3A_140] : memref<128x65536xf32, #tpu.memory_space<hbm>> -> memref<8x4096xf32, #tpu.memory_space<hbm>>
    %dma_wait3A_142 = tpu.memref_slice %arg2[%mul3A_32, %add3A_140] : memref<128x65536xf32, #tpu.memory_space<hbm>> -> memref<8x4096xf32, #tpu.memory_space<hbm>>
    tpu.wait_dma2 semaphore(%arg15 : memref<!tpu.dma_semaphore, #tpu.memory_space<semaphore_mem>>) src(%dma_wait3A_142 : memref<8x4096xf32, #tpu.memory_space<hbm>>) dst(%arg9 : memref<8x4096xf32, #tpu.memory_space<vmem>>)
    %add3A_143 = arith.constant 24576 : i32
    %add3A_144 = arith.addi %mul3A_34, %add3A_143 : i32
    %dma_start3A_145 = tpu.memref_slice %arg7[%mul3A_32, %add3A_144] : memref<128x65536xf32, #tpu.memory_space<hbm>> -> memref<8x4096xf32, #tpu.memory_space<hbm>>
    %dma_start3A_146 = tpu.memref_slice %arg7[%mul3A_32, %add3A_144] : memref<128x65536xf32, #tpu.memory_space<hbm>> -> memref<8x4096xf32, #tpu.memory_space<hbm>>
    tpu.enqueue_dma source(%arg9 : memref<8x4096xf32, #tpu.memory_space<vmem>>) target(%dma_start3A_146 : memref<8x4096xf32, #tpu.memory_space<hbm>>) target_semaphore(%arg17 : memref<!tpu.dma_semaphore, #tpu.memory_space<semaphore_mem>>)
    %add3A_147 = arith.constant 28672 : i32
    %add3A_148 = arith.addi %mul3A_34, %add3A_147 : i32
    %dma_wait3A_149 = tpu.memref_slice %arg2[%mul3A_32, %add3A_148] : memref<128x65536xf32, #tpu.memory_space<hbm>> -> memref<8x4096xf32, #tpu.memory_space<hbm>>
    %dma_wait3A_150 = tpu.memref_slice %arg2[%mul3A_32, %add3A_148] : memref<128x65536xf32, #tpu.memory_space<hbm>> -> memref<8x4096xf32, #tpu.memory_space<hbm>>
    tpu.wait_dma2 semaphore(%arg16 : memref<!tpu.dma_semaphore, #tpu.memory_space<semaphore_mem>>) src(%dma_wait3A_150 : memref<8x4096xf32, #tpu.memory_space<hbm>>) dst(%arg10 : memref<8x4096xf32, #tpu.memory_space<vmem>>)
    %add3A_151 = arith.constant 28672 : i32
    %add3A_152 = arith.addi %mul3A_34, %add3A_151 : i32
    %dma_start3A_153 = tpu.memref_slice %arg7[%mul3A_32, %add3A_152] : memref<128x65536xf32, #tpu.memory_space<hbm>> -> memref<8x4096xf32, #tpu.memory_space<hbm>>
    %dma_start3A_154 = tpu.memref_slice %arg7[%mul3A_32, %add3A_152] : memref<128x65536xf32, #tpu.memory_space<hbm>> -> memref<8x4096xf32, #tpu.memory_space<hbm>>
    tpu.enqueue_dma source(%arg10 : memref<8x4096xf32, #tpu.memory_space<vmem>>) target(%dma_start3A_154 : memref<8x4096xf32, #tpu.memory_space<hbm>>) target_semaphore(%arg18 : memref<!tpu.dma_semaphore, #tpu.memory_space<semaphore_mem>>)
    %add3A_155 = arith.constant 24576 : i32
    %add3A_156 = arith.addi %mul3A_34, %add3A_155 : i32
    %dma_wait3A_157 = tpu.memref_slice %arg7[%mul3A_32, %add3A_156] : memref<128x65536xf32, #tpu.memory_space<hbm>> -> memref<8x4096xf32, #tpu.memory_space<hbm>>
    %dma_wait3A_158 = tpu.memref_slice %arg7[%mul3A_32, %add3A_156] : memref<128x65536xf32, #tpu.memory_space<hbm>> -> memref<8x4096xf32, #tpu.memory_space<hbm>>
    tpu.wait_dma2 semaphore(%arg17 : memref<!tpu.dma_semaphore, #tpu.memory_space<semaphore_mem>>) src(%arg9 : memref<8x4096xf32, #tpu.memory_space<vmem>>) dst(%dma_wait3A_158 : memref<8x4096xf32, #tpu.memory_space<hbm>>)
    %add3A_159 = arith.constant 28672 : i32
    %add3A_160 = arith.addi %mul3A_34, %add3A_159 : i32
    %dma_wait3A_161 = tpu.memref_slice %arg7[%mul3A_32, %add3A_160] : memref<128x65536xf32, #tpu.memory_space<hbm>> -> memref<8x4096xf32, #tpu.memory_space<hbm>>
    %dma_wait3A_162 = tpu.memref_slice %arg7[%mul3A_32, %add3A_160] : memref<128x65536xf32, #tpu.memory_space<hbm>> -> memref<8x4096xf32, #tpu.memory_space<hbm>>
    tpu.wait_dma2 semaphore(%arg18 : memref<!tpu.dma_semaphore, #tpu.memory_space<semaphore_mem>>) src(%arg10 : memref<8x4096xf32, #tpu.memory_space<vmem>>) dst(%dma_wait3A_162 : memref<8x4096xf32, #tpu.memory_space<hbm>>)
    tpu.enqueue_dma source(%arg6 : memref<16xi32, #tpu.memory_space<hbm>>) target(%arg14 : memref<16xi32, #tpu.memory_space<vmem>>) target_semaphore(%arg19 : memref<!tpu.dma_semaphore, #tpu.memory_space<semaphore_mem>>)
    tpu.wait_dma2 semaphore(%arg19 : memref<!tpu.dma_semaphore, #tpu.memory_space<semaphore_mem>>) src(%arg6 : memref<16xi32, #tpu.memory_space<hbm>>) dst(%arg14 : memref<16xi32, #tpu.memory_space<vmem>>)
    %get3A = arith.constant 0 : index
    %get3A_163 = tpu.vector_load %arg14[%get3A] {strides = array<i32>} : memref<16xi32, #tpu.memory_space<vmem>>, vector<16xi32>,
    %reduce_max3A = arith.constant true
    %reduce_max3A_164 = vector.broadcast %reduce_max3A : i1 to vector<16xi1>
    %reduce_max3A_165 = arith.constant -2147483648 : i32
    %reduce_max3A_166 = vector.broadcast %reduce_max3A_165 : i32 to vector<16xi32>
    %reduce_max3A_167 = arith.xori %get3A_163, %reduce_max3A_166 : vector<16xi32>
    %reduce_max3A_168 = tpu.scan <max>, %reduce_max3A_167 masked %reduce_max3A_164 : vector<16xi32>, vector<16xi1> -> vector<16xi32>
    %reduce_max3A_169 = arith.xori %reduce_max3A_168, %reduce_max3A_166 : vector<16xi32>
    %reduce_max3A_170 = vector.extract %reduce_max3A_169[15] : i32 from vector<16xi32>
    %multiple_of3A = tpu.assume_multiple %reduce_max3A_170, 128 : i32
    %dma_start3A_171 = arith.constant 0 : i32
    %dma_start3A_172 = tpu.memref_slice %arg3[%mul3A_32, %dma_start3A_171] : memref<128x1024xf32, #tpu.memory_space<hbm>> -> memref<8x1024xf32, #tpu.memory_space<hbm>>
    %dma_start3A_173 = arith.constant 0 : i32
    %dma_start3A_174 = tpu.memref_slice %arg3[%mul3A_32, %dma_start3A_173] : memref<128x1024xf32, #tpu.memory_space<hbm>> -> memref<8x1024xf32, #tpu.memory_space<hbm>>
    tpu.enqueue_dma source(%dma_start3A_174 : memref<8x1024xf32, #tpu.memory_space<hbm>>) target(%arg11 : memref<8x1024xf32, #tpu.memory_space<vmem>>) target_semaphore(%arg19 : memref<!tpu.dma_semaphore, #tpu.memory_space<semaphore_mem>>)
    %dma_wait3A_175 = arith.constant 0 : i32
    %dma_wait3A_176 = tpu.memref_slice %arg3[%mul3A_32, %dma_wait3A_175] : memref<128x1024xf32, #tpu.memory_space<hbm>> -> memref<8x1024xf32, #tpu.memory_space<hbm>>
    %dma_wait3A_177 = arith.constant 0 : i32
    %dma_wait3A_178 = tpu.memref_slice %arg3[%mul3A_32, %dma_wait3A_177] : memref<128x1024xf32, #tpu.memory_space<hbm>> -> memref<8x1024xf32, #tpu.memory_space<hbm>>
    tpu.wait_dma2 semaphore(%arg19 : memref<!tpu.dma_semaphore, #tpu.memory_space<semaphore_mem>>) src(%dma_wait3A_178 : memref<8x1024xf32, #tpu.memory_space<hbm>>) dst(%arg11 : memref<8x1024xf32, #tpu.memory_space<vmem>>)
    %dma_start3A_179 = tpu.memref_slice %arg7[%mul3A_32, %multiple_of3A] : memref<128x65536xf32, #tpu.memory_space<hbm>> -> memref<8x1024xf32, #tpu.memory_space<hbm>>
    %dma_start3A_180 = tpu.memref_slice %arg7[%mul3A_32, %multiple_of3A] : memref<128x65536xf32, #tpu.memory_space<hbm>> -> memref<8x1024xf32, #tpu.memory_space<hbm>>
    tpu.enqueue_dma source(%arg11 : memref<8x1024xf32, #tpu.memory_space<vmem>>) target(%dma_start3A_180 : memref<8x1024xf32, #tpu.memory_space<hbm>>) target_semaphore(%arg19 : memref<!tpu.dma_semaphore, #tpu.memory_space<semaphore_mem>>)
    %dma_wait3A_181 = tpu.memref_slice %arg7[%mul3A_32, %multiple_of3A] : memref<128x65536xf32, #tpu.memory_space<hbm>> -> memref<8x1024xf32, #tpu.memory_space<hbm>>
    %dma_wait3A_182 = tpu.memref_slice %arg7[%mul3A_32, %multiple_of3A] : memref<128x65536xf32, #tpu.memory_space<hbm>> -> memref<8x1024xf32, #tpu.memory_space<hbm>>
    tpu.wait_dma2 semaphore(%arg19 : memref<!tpu.dma_semaphore, #tpu.memory_space<semaphore_mem>>) src(%arg11 : memref<8x1024xf32, #tpu.memory_space<vmem>>) dst(%dma_wait3A_182 : memref<8x1024xf32, #tpu.memory_space<hbm>>)
    %dma_start3A_183 = tpu.memref_slice %arg5[%mul3A_36] : memref<65536xi32, #tpu.memory_space<hbm>> -> memref<2048xi32, #tpu.memory_space<hbm>>
    %dma_start3A_184 = tpu.memref_slice %arg5[%mul3A_36] : memref<65536xi32, #tpu.memory_space<hbm>> -> memref<2048xi32, #tpu.memory_space<hbm>>
    tpu.enqueue_dma source(%dma_start3A_184 : memref<2048xi32, #tpu.memory_space<hbm>>) target(%arg13 : memref<2048xi32, #tpu.memory_space<vmem>>) target_semaphore(%arg19 : memref<!tpu.dma_semaphore, #tpu.memory_space<semaphore_mem>>)
    %dma_wait3A_185 = tpu.memref_slice %arg5[%mul3A_36] : memref<65536xi32, #tpu.memory_space<hbm>> -> memref<2048xi32, #tpu.memory_space<hbm>>
    %dma_wait3A_186 = tpu.memref_slice %arg5[%mul3A_36] : memref<65536xi32, #tpu.memory_space<hbm>> -> memref<2048xi32, #tpu.memory_space<hbm>>
    tpu.wait_dma2 semaphore(%arg19 : memref<!tpu.dma_semaphore, #tpu.memory_space<semaphore_mem>>) src(%dma_wait3A_186 : memref<2048xi32, #tpu.memory_space<hbm>>) dst(%arg13 : memref<2048xi32, #tpu.memory_space<vmem>>)
    %dma_start3A_187 = tpu.memref_slice %arg8[%mul3A_36] : memref<65536xi32, #tpu.memory_space<hbm>> -> memref<2048xi32, #tpu.memory_space<hbm>>
    %dma_start3A_188 = tpu.memref_slice %arg8[%mul3A_36] : memref<65536xi32, #tpu.memory_space<hbm>> -> memref<2048xi32, #tpu.memory_space<hbm>>
    tpu.enqueue_dma source(%arg13 : memref<2048xi32, #tpu.memory_space<vmem>>) target(%dma_start3A_188 : memref<2048xi32, #tpu.memory_space<hbm>>) target_semaphore(%arg19 : memref<!tpu.dma_semaphore, #tpu.memory_space<semaphore_mem>>)
    %dma_wait3A_189 = tpu.memref_slice %arg8[%mul3A_36] : memref<65536xi32, #tpu.memory_space<hbm>> -> memref<2048xi32, #tpu.memory_space<hbm>>
    %dma_wait3A_190 = tpu.memref_slice %arg8[%mul3A_36] : memref<65536xi32, #tpu.memory_space<hbm>> -> memref<2048xi32, #tpu.memory_space<hbm>>
    tpu.wait_dma2 semaphore(%arg19 : memref<!tpu.dma_semaphore, #tpu.memory_space<semaphore_mem>>) src(%arg13 : memref<2048xi32, #tpu.memory_space<vmem>>) dst(%dma_wait3A_190 : memref<2048xi32, #tpu.memory_space<hbm>>)
    %add3A_191 = arith.constant 2048 : i32
    %add3A_192 = arith.addi %mul3A_36, %add3A_191 : i32
    %lt3A_193 = arith.cmpi slt, %multiple_of3A, %add3A_192 : i32
    %add3A_194 = arith.constant 1024 : i32
    %add3A_195 = arith.addi %multiple_of3A, %add3A_194 : i32
    %gt3A = arith.cmpi sgt, %add3A_195, %mul3A_36 : i32
    %and3A_196 = arith.andi %lt3A_193, %gt3A : i1
    %convert_element_type3A = arith.extui %and3A_196 : i1 to i32
    %cond3A = arith.constant 0 : i32
    %cond3A_197 = arith.cmpi ne, %convert_element_type3A, %cond3A : i32
    scf.if %cond3A_197 {
      tpu.enqueue_dma source(%arg4 : memref<1024xi32, #tpu.memory_space<hbm>>) target(%arg12 : memref<1024xi32, #tpu.memory_space<vmem>>) target_semaphore(%arg19 : memref<!tpu.dma_semaphore, #tpu.memory_space<semaphore_mem>>)
      tpu.wait_dma2 semaphore(%arg19 : memref<!tpu.dma_semaphore, #tpu.memory_space<semaphore_mem>>) src(%arg4 : memref<1024xi32, #tpu.memory_space<hbm>>) dst(%arg12 : memref<1024xi32, #tpu.memory_space<vmem>>)
      %dma_start3A_198 = tpu.memref_slice %arg8[%multiple_of3A] : memref<65536xi32, #tpu.memory_space<hbm>> -> memref<1024xi32, #tpu.memory_space<hbm>>
      %dma_start3A_199 = tpu.memref_slice %arg8[%multiple_of3A] : memref<65536xi32, #tpu.memory_space<hbm>> -> memref<1024xi32, #tpu.memory_space<hbm>>
      tpu.enqueue_dma source(%arg12 : memref<1024xi32, #tpu.memory_space<vmem>>) target(%dma_start3A_199 : memref<1024xi32, #tpu.memory_space<hbm>>) target_semaphore(%arg19 : memref<!tpu.dma_semaphore, #tpu.memory_space<semaphore_mem>>)
      %dma_wait3A_200 = tpu.memref_slice %arg8[%multiple_of3A] : memref<65536xi32, #tpu.memory_space<hbm>> -> memref<1024xi32, #tpu.memory_space<hbm>>
      %dma_wait3A_201 = tpu.memref_slice %arg8[%multiple_of3A] : memref<65536xi32, #tpu.memory_space<hbm>> -> memref<1024xi32, #tpu.memory_space<hbm>>
      tpu.wait_dma2 semaphore(%arg19 : memref<!tpu.dma_semaphore, #tpu.memory_space<semaphore_mem>>) src(%arg12 : memref<1024xi32, #tpu.memory_space<vmem>>) dst(%dma_wait3A_201 : memref<1024xi32, #tpu.memory_space<hbm>>)
    } else {
    }
    return
  }
}

module attributes {stable_mosaic.version = 14 : i64} {
  func.func @_prep_body(%arg0: memref<1024x128xf32, #tpu.memory_space<vmem>>, %arg1: memref<128x1024xf32, #tpu.memory_space<vmem>>) attributes {dimension_semantics = [], scalar_prefetch = 0 : i64, scratch_operands = 0 : i64, tpu.core_type = #tpu.core_type<tc>} {
    %get3A = arith.constant 0 : index
    %get3A_0 = arith.constant 0 : index
    %get3A_1 = vector.load %arg0[%get3A, %get3A_0] : memref<1024x128xf32, #tpu.memory_space<vmem>>, vector<1024x128xf32>
    %mul3A = arith.mulf %get3A_1, %get3A_1 : vector<1024x128xf32>
    %reduce_sum3A = arith.constant dense<0.000000e+00> : vector<1024xf32>
    %reduce_sum3A_2 = vector.multi_reduction <add>, %mul3A, %reduce_sum3A [1] : vector<1024x128xf32> to vector<1024xf32>
    %broadcast_in_dim3A = vector.shape_cast %reduce_sum3A_2 : vector<1024xf32> to vector<1024x1xf32>
    %sqrt3A = math.sqrt %broadcast_in_dim3A : vector<1024x1xf32>
    %max3A = arith.constant 9.99999996E-13 : f32
    %max3A_3 = vector.broadcast %max3A : f32 to vector<1024x1xf32>
    %max3A_4 = arith.maximumf %sqrt3A, %max3A_3 : vector<1024x1xf32>
    %div3A = vector.broadcast %max3A_4 : vector<1024x1xf32> to vector<1024x128xf32>
    %div3A_5 = arith.divf %get3A_1, %div3A : vector<1024x128xf32>
    %transpose3A = tpu.transpose %div3A_5, [1, 0] : vector<1024x128xf32> -> vector<128x1024xf32>
    %swap3A = arith.constant 0 : index
    %swap3A_6 = arith.constant 0 : index
    %swap3A_7 = vector.load %arg1[%swap3A, %swap3A_6] : memref<128x1024xf32, #tpu.memory_space<vmem>>, vector<128x1024xf32>
    tpu.vector_store %arg1[%swap3A, %swap3A_6], %transpose3A {strides = array<i32>} : memref<128x1024xf32, #tpu.memory_space<vmem>>, vector<128x1024xf32>,
    return
  }
}

module attributes {stable_mosaic.version = 14 : i64} {
  func.func @_logits_body(%arg0: i32, %arg1: memref<1024x128xf32, #tpu.memory_space<vmem>>, %arg2: memref<1024x128xf32, #tpu.memory_space<vmem>>, %arg3: memref<128x2048xf32, #tpu.memory_space<vmem>>, %arg4: memref<1024x2048xf32, #tpu.memory_space<vmem>>, %arg5: memref<1024x128xbf16, #tpu.memory_space<vmem>>, %arg6: memref<1024x1xf32, #tpu.memory_space<vmem>>, %arg7: memref<128x1xbf16, #tpu.memory_space<vmem>>) attributes {dimension_semantics = [#tpu.dimension_semantics<arbitrary>], iteration_bounds = array<i64: 33>, scalar_prefetch = 0 : i64, scratch_operands = 3 : i64, tpu.core_type = #tpu.core_type<tc>, window_params = [{pipeline_mode = #tpu.pipeline_mode<synchronous>, transform_indices = @transform_0, window_bounds = array<i64: 1024, 128>}, {pipeline_mode = #tpu.pipeline_mode<synchronous>, transform_indices = @transform_1, window_bounds = array<i64: 1024, 128>}, {transform_indices = @transform_2, window_bounds = array<i64: 128, 2048>}, {transform_indices = @transform_3, window_bounds = array<i64: 1024, 2048>}]} {
    %eq3A = arith.constant 0 : i32
    %eq3A_0 = arith.cmpi eq, %arg0, %eq3A : i32
    %convert_element_type3A = arith.extui %eq3A_0 : i1 to i32
    %cond3A = arith.constant 0 : i32
    %cond3A_1 = arith.cmpi ne, %convert_element_type3A, %cond3A : i32
    scf.if %cond3A_1 {
      %get3A_23 = arith.constant 0 : index
      %get3A_24 = arith.constant 0 : index
      %get3A_25 = vector.load %arg1[%get3A_23, %get3A_24] : memref<1024x128xf32, #tpu.memory_space<vmem>>, vector<1024x128xf32>
      %get3A_26 = arith.constant 0 : index
      %get3A_27 = arith.constant 0 : index
      %get3A_28 = vector.load %arg2[%get3A_26, %get3A_27] : memref<1024x128xf32, #tpu.memory_space<vmem>>, vector<1024x128xf32>
      %mul3A = arith.mulf %get3A_25, %get3A_25 : vector<1024x128xf32>
      %reduce_sum3A = arith.constant dense<0.000000e+00> : vector<1024xf32>
      %reduce_sum3A_29 = vector.multi_reduction <add>, %mul3A, %reduce_sum3A [1] : vector<1024x128xf32> to vector<1024xf32>
      %broadcast_in_dim3A = vector.shape_cast %reduce_sum3A_29 : vector<1024xf32> to vector<1024x1xf32>
      %sqrt3A = math.sqrt %broadcast_in_dim3A : vector<1024x1xf32>
      %max3A = arith.constant 9.99999996E-13 : f32
      %max3A_30 = vector.broadcast %max3A : f32 to vector<1024x1xf32>
      %max3A_31 = arith.maximumf %sqrt3A, %max3A_30 : vector<1024x1xf32>
      %div3A = vector.broadcast %max3A_31 : vector<1024x1xf32> to vector<1024x128xf32>
      %div3A_32 = arith.divf %get3A_25, %div3A : vector<1024x128xf32>
      %mul3A_33 = arith.mulf %get3A_28, %get3A_28 : vector<1024x128xf32>
      %reduce_sum3A_34 = arith.constant dense<0.000000e+00> : vector<1024xf32>
      %reduce_sum3A_35 = vector.multi_reduction <add>, %mul3A_33, %reduce_sum3A_34 [1] : vector<1024x128xf32> to vector<1024xf32>
      %broadcast_in_dim3A_36 = vector.shape_cast %reduce_sum3A_35 : vector<1024xf32> to vector<1024x1xf32>
      %sqrt3A_37 = math.sqrt %broadcast_in_dim3A_36 : vector<1024x1xf32>
      %max3A_38 = arith.constant 9.99999996E-13 : f32
      %max3A_39 = vector.broadcast %max3A_38 : f32 to vector<1024x1xf32>
      %max3A_40 = arith.maximumf %sqrt3A_37, %max3A_39 : vector<1024x1xf32>
      %div3A_41 = vector.broadcast %max3A_40 : vector<1024x1xf32> to vector<1024x128xf32>
      %div3A_42 = arith.divf %get3A_28, %div3A_41 : vector<1024x128xf32>
      %mul3A_43 = arith.mulf %div3A_32, %div3A_42 : vector<1024x128xf32>
      %reduce_sum3A_44 = arith.constant dense<0.000000e+00> : vector<1024xf32>
      %reduce_sum3A_45 = vector.multi_reduction <add>, %mul3A_43, %reduce_sum3A_44 [1] : vector<1024x128xf32> to vector<1024xf32>
      %broadcast_in_dim3A_46 = vector.shape_cast %reduce_sum3A_45 : vector<1024xf32> to vector<1024x1xf32>
      %mul3A_47 = arith.constant 1.000000e+01 : f32
      %mul3A_48 = vector.broadcast %mul3A_47 : f32 to vector<1024x1xf32>
      %mul3A_49 = arith.mulf %broadcast_in_dim3A_46, %mul3A_48 : vector<1024x1xf32>
      %swap3A_50 = arith.constant 0 : index
      %swap3A_51 = arith.constant 0 : index
      %swap3A_52 = vector.load %arg6[%swap3A_50, %swap3A_51] : memref<1024x1xf32, #tpu.memory_space<vmem>>, vector<1024x1xf32>
      tpu.vector_store %arg6[%swap3A_50, %swap3A_51], %mul3A_49 {strides = array<i32>} : memref<1024x1xf32, #tpu.memory_space<vmem>>, vector<1024x1xf32>,
      %mul3A_53 = arith.constant 1.000000e+01 : f32
      %mul3A_54 = vector.broadcast %mul3A_53 : f32 to vector<1024x128xf32>
      %mul3A_55 = arith.mulf %div3A_32, %mul3A_54 : vector<1024x128xf32>
      %convert_element_type3A_56 = arith.truncf %mul3A_55 : vector<1024x128xf32> to vector<1024x128xbf16>
      %swap3A_57 = arith.constant 0 : index
      %swap3A_58 = arith.constant 0 : index
      %swap3A_59 = vector.load %arg5[%swap3A_57, %swap3A_58] : memref<1024x128xbf16, #tpu.memory_space<vmem>>, vector<1024x128xbf16>
      tpu.vector_store %arg5[%swap3A_57, %swap3A_58], %convert_element_type3A_56 {strides = array<i32>} : memref<1024x128xbf16, #tpu.memory_space<vmem>>, vector<1024x128xbf16>,
    } else {
    }
    %get3A = arith.constant 0 : index
    %get3A_2 = arith.constant 0 : index
    %get3A_3 = vector.load %arg3[%get3A, %get3A_2] : memref<128x2048xf32, #tpu.memory_space<vmem>>, vector<128x2048xf32>
    %convert_element_type3A_4 = arith.truncf %get3A_3 : vector<128x2048xf32> to vector<128x2048xbf16>
    %get3A_5 = arith.constant 0 : index
    %get3A_6 = arith.constant 0 : index
    %get3A_7 = vector.load %arg7[%get3A_5, %get3A_6] : memref<128x1xbf16, #tpu.memory_space<vmem>>, vector<128x1xbf16>
    %slice3A = vector.extract_strided_slice %convert_element_type3A_4 {offsets = [0, 0], sizes = [128, 2047], strides = [1, 1]} : vector<128x2048xbf16> to vector<128x2047xbf16>
    %concatenate3A = tpu.concatenate %get3A_7, %slice3A in 1 : vector<128x1xbf16>, vector<128x2047xbf16> -> vector<128x2048xbf16>
    %get3A_8 = arith.constant 0 : index
    %get3A_9 = arith.constant 0 : index
    %get3A_10 = vector.load %arg5[%get3A_8, %get3A_9] : memref<1024x128xbf16, #tpu.memory_space<vmem>>, vector<1024x128xbf16>
    %dot_general3A = arith.constant dense<0.000000e+00> : vector<1024x2048xf32>
    %dot_general3A_11 = tpu.matmul %get3A_10, %concatenate3A, %dot_general3A {dimension_numbers = #tpu.dot_dimension_numbers<[1], [0], [0], [1], [0, 0, 1, 1], [], []>, transpose_lhs_hint = false} : vector<1024x128xbf16>, vector<128x2048xbf16>, vector<1024x2048xf32> -> vector<1024x2048xf32>
    %swap3A = arith.constant 0 : index
    %swap3A_12 = arith.constant 0 : index
    %swap3A_13 = vector.load %arg4[%swap3A, %swap3A_12] : memref<1024x2048xf32, #tpu.memory_space<vmem>>, vector<1024x2048xf32>
    tpu.vector_store %arg4[%swap3A, %swap3A_12], %dot_general3A_11 {strides = array<i32>} : memref<1024x2048xf32, #tpu.memory_space<vmem>>, vector<1024x2048xf32>,
    %slice3A_14 = vector.extract_strided_slice %convert_element_type3A_4 {offsets = [0, 2047], sizes = [128, 1], strides = [1, 1]} : vector<128x2048xbf16> to vector<128x1xbf16>
    %swap3A_15 = arith.constant 0 : index
    %swap3A_16 = arith.constant 0 : index
    %swap3A_17 = vector.load %arg7[%swap3A_15, %swap3A_16] : memref<128x1xbf16, #tpu.memory_space<vmem>>, vector<128x1xbf16>
    tpu.vector_store %arg7[%swap3A_15, %swap3A_16], %slice3A_14 {strides = array<i32>} : memref<128x1xbf16, #tpu.memory_space<vmem>>, vector<128x1xbf16>,
    %eq3A_18 = arith.constant 0 : i32
    %eq3A_19 = arith.cmpi eq, %arg0, %eq3A_18 : i32
    %convert_element_type3A_20 = arith.extui %eq3A_19 : i1 to i32
    %cond3A_21 = arith.constant 0 : i32
    %cond3A_22 = arith.cmpi ne, %convert_element_type3A_20, %cond3A_21 : i32
    scf.if %cond3A_22 {
      %get3A_23 = arith.constant 0 : index
      %get3A_24 = arith.constant 0 : index
      %get3A_25 = vector.load %arg6[%get3A_23, %get3A_24] : memref<1024x1xf32, #tpu.memory_space<vmem>>, vector<1024x1xf32>
      %swap3A_26 = arith.constant 0 : index
      %swap3A_27 = arith.constant 0 : index
      %swap3A_28 = vector.load %arg4[%swap3A_26, %swap3A_27] : memref<1024x2048xf32, #tpu.memory_space<vmem>>, vector<1024x1xf32>
      tpu.vector_store %arg4[%swap3A_26, %swap3A_27], %get3A_25 {strides = array<i32>} : memref<1024x2048xf32, #tpu.memory_space<vmem>>, vector<1024x1xf32>,
    } else {
    }
    return
  }
  func.func @transform_0(%arg0: i32) -> (i32, i32) {
    %c0_i32 = arith.constant 0 : i32
    %c0_i32_0 = arith.constant 0 : i32
    %c0_i32_1 = arith.constant 0 : i32
    return %c0_i32, %c0_i32_0 : i32, i32
  }
  func.func @transform_1(%arg0: i32) -> (i32, i32) {
    %c0_i32 = arith.constant 0 : i32
    %c0_i32_0 = arith.constant 0 : i32
    %c0_i32_1 = arith.constant 0 : i32
    return %c0_i32, %c0_i32_0 : i32, i32
  }
  func.func @transform_2(%arg0: i32) -> (i32, i32) {
    %min3A = arith.constant 31 : i32
    %min3A_0 = arith.minsi %arg0, %min3A : i32
    %c0_i32 = arith.constant 0 : i32
    %c0_i32_1 = arith.constant 0 : i32
    return %c0_i32, %min3A_0 : i32, i32
  }
  func.func @transform_3(%arg0: i32) -> (i32, i32) {
    %c0_i32 = arith.constant 0 : i32
    %c0_i32_0 = arith.constant 0 : i32
    return %c0_i32, %arg0 : i32, i32
  }
}

</mosaic_0001>

<sc_bundles>
// kernel: kernel.5.cloned.1.call-start
scs
__scs_entry_jumppad:
0x0: {  	(pc) =	sbr.rel $0x88, $3  }
0x1: {  	(tag) =	ssettag $0x0;
	lr =	simm.s32 $0x1  }
0x2: {  	[smem:$0x3F9B] =	sst lr;
	_ =	strace $0xD0000000  }
0x3: {  	_ = 	snop  }
0x4: {  	_ = 	snop  }
0x5: {  	_ = 	snop  }
0x6: {  	_ = 	snop  }
0x7: {  	_ = 	snop  }
__scs_overlays_trampoline_lowered:
0x8: {  	[smem:$0x3FAA] =	sst s0  }
0x9: {  	[smem:$0x3FAB] =	sst s1  }
0xa: {  	[smem:$0x3FAC] =	sst s2  }
0xb: {  	[smem:$0x3FAD] =	sst s3  }
0xc: {  	[smem:$0x3FAE] =	sst s4  }
0xd: {  	[smem:$0x3FAF] =	sst s5  }
0xe: {  	[smem:$0x3FB0] =	sst s6  }
0xf: {  	[smem:$0x3FB1] =	sst s7  }
0x10: {  	[smem:$0x3FB2] =	sst s8  }
0x11: {  	[smem:$0x3FB3] =	sst s9;
	s0 =	simm.s32 @!p0 $0x0  }
0x12: {  	s1 =	sld [smem:$0x3F99];
	s0 =	simm.s32 @p0 $0x1  }
0x13: {  	[smem:$0x3FB4] =	sst s0;
	s0 =	simm.s32 @!p1 $0x0  }
0x14: {  	s2 =	sld [smem:$0x3F98];
	s0 =	simm.s32 @p1 $0x1  }
0x15: {  	[smem:$0x3FB5] =	sst s0;
	s0 =	simm.s32 @!p2 $0x0  }
0x16: {  	s3 =	sld [smem:$0x3FDB];
	s0 =	simm.s32 @p2 $0x1  }
0x17: {  	s4 =	simm.s32 $0x1BF5;
	[smem:$0x3FB7] =	sst s0  }
0x18: {  	s0 =	sld [smem:$0x3F9A];
	_ =	swait.ge [sflag:s4], $0x0  }
0x19: {  	s7 =	sld [smem:$0x3F9B]  }
0x1a: {  	s8 =	sadd.s32 $0xFFFFE003, lr  }
0x1b: {  	s9 =	sadd.s32 $0xFFFFFEF7, lr;
	s5 =	simm.s32 $0xFFFFFFFF;
	p2 =	slt.u32 s8, $0xFFFFF086  }
0x1c: {  	p1 =	slt.u32 s9, $0xF7A;
	s5 =	simm.s32 @!p2 $0x0  }
0x1d: {  	s5 =	simm.s32 @p1 $0x1;
	p0 =	seq.s32 s7, s2  }
0x1e: {  	s7 =	smul.u32 @!p0 $0xF7A, s2;
	p2 =	seq.s32 @!p0 s5, $0x0  }
0x1f: {  	s9 =	smul.u32 $0xF7A, s1;
	s8 =	simm.s32 @!p0 $0x1BF5;
	p2 =	por !p2, p0  }
0x20: {  	[sflag:s8] =	ssyncset.s32 @!p0 $0xFFFFF086;
	s6 =	sadd.s32 @!p0 s3, s7;
	s7 =	simm.s32 @!p0 $0x108  }
0x21: {  	s3 =	sadd.s32 s3, s9;
	s6 =	sadd.s32 @!p0 $0x88, s6;
	s7 =	simm.s32 @p2 $0x1082  }
0x22: {  	[simem:s7], [sflag:s8] =	dma.local @!p0 [hbm:s6], $0xF7A  }
0x23: {  	s9 =	sor.u32 $0xD0000000, s2;
	s6 =	simm.s32 $0x108;
	_ =	swait.ge @!p0 [sflag:s8], $0x0  }
0x24: {  	s3 =	sadd.s32 $0x88, s3;
	s6 =	simm.s32 @!p1 $0x1082;
	[sflag:s4] =	ssyncset.s32 $0xFFFFF086  }
0x25: {  	[simem:s6], [sflag:s4] =	dma.local [hbm:s3], $0xF7A  }
0x26: {  	[smem:$0x3F9B] =	sst s1;
	(tag) =	ssettag s2;
	_ =	strace s9  }
0x27: {  	s1 =	sld [smem:$0x3FAB]  }
0x28: {  	s2 =	sld [smem:$0x3FAC]  }
0x29: {  	s4 =	sld [smem:$0x3FAE]  }
0x2a: {  	p0 =	seq.s32 s5, $0x0;
	s5 =	sld [smem:$0x3FAF]  }
0x2b: {  	s6 =	sld [smem:$0x3FB0]  }
0x2c: {  	s7 =	sld [smem:$0x3FB1]  }
0x2d: {  	s3 =	simm.s32 $0x108;
	s8 =	sld [smem:$0x3FB2]  }
0x2e: {  	s3 =	simm.s32 @!p0 $0x1082;
	s9 =	sld [smem:$0x3FB3]  }
0x2f: {  	lr =	sadd.s32 s0, s3;
	s0 =	sld [smem:$0x3FAA]  }
0x30: {  	s3 =	sld [smem:$0x3FAD]  }
0x31: {  	[smem:$0x3FB6] =	sst s10  }
0x32: {  	s10 =	sld [smem:$0x3FB4];
	_ =	sdelay $0x3  }
0x33: {  	p0 =	seq.s32 s10, $0x1;
	s10 =	sld [smem:$0x3FB6];
	_ =	sdelay $0x3  }
0x34: {  	[smem:$0x3FB6] =	sst s10  }
0x35: {  	s10 =	sld [smem:$0x3FB5];
	_ =	sdelay $0x3  }
0x36: {  	p1 =	seq.s32 s10, $0x1;
	s10 =	sld [smem:$0x3FB6];
	_ =	sdelay $0x3  }
0x37: {  	[smem:$0x3FB6] =	sst s10  }
0x38: {  	s10 =	sld [smem:$0x3FB7]  }
0x39: {  	_ = 	snop;
	(pc) =	sbr.ind lr, $3  }
0x3a: {  	_ = 	snop  }
0x3b: {  	_ = 	snop  }
0x3c: {  	p2 =	seq.s32 s10, $0x1;
	s10 =	sld [smem:$0x3FB6]  }
0x3d: {  	_ =	shalt  }
0x3e: {  	_ =	shalt  }
0x3f: {  	_ =	shalt  }
0x40: {  	_ =	shalt  }
0x41: {  	_ =	shalt  }
0x42: {  	_ =	shalt  }
0x43: {  	_ =	shalt  }
0x44: {  	_ =	shalt  }
0x45: {  	_ =	shalt  }
0x46: {  	_ =	shalt  }
0x47: {  	_ =	shalt  }
0x48: {  	_ =	shalt  }
0x49: {  	_ =	shalt  }
0x4a: {  	_ =	shalt  }
0x4b: {  	_ =	shalt  }
0x4c: {  	_ =	shalt  }
0x4d: {  	_ =	shalt  }
0x4e: {  	_ =	shalt  }
0x4f: {  	_ =	shalt  }
0x50: {  	_ =	shalt  }
0x51: {  	_ =	shalt  }
0x52: {  	_ =	shalt  }
0x53: {  	_ =	shalt  }
0x54: {  	_ =	shalt  }
0x55: {  	_ =	shalt  }
0x56: {  	_ =	shalt  }
0x57: {  	_ =	shalt  }
0x58: {  	_ =	shalt  }
0x59: {  	_ =	shalt  }
0x5a: {  	_ =	shalt  }
0x5b: {  	_ =	shalt  }
0x5c: {  	_ =	shalt  }
0x5d: {  	_ =	shalt  }
0x5e: {  	_ =	shalt  }
0x5f: {  	_ =	shalt  }
0x60: {  	_ =	shalt  }
0x61: {  	_ =	shalt  }
0x62: {  	_ =	shalt  }
0x63: {  	_ =	shalt  }
0x64: {  	_ =	shalt  }
0x65: {  	_ =	shalt  }
0x66: {  	_ =	shalt  }
0x67: {  	_ =	shalt  }
0x68: {  	_ =	shalt  }
0x69: {  	_ =	shalt  }
0x6a: {  	_ =	shalt  }
0x6b: {  	_ =	shalt  }
0x6c: {  	_ =	shalt  }
0x6d: {  	_ =	shalt  }
0x6e: {  	_ =	shalt  }
0x6f: {  	_ =	shalt  }
0x70: {  	_ =	shalt  }
0x71: {  	_ =	shalt  }
0x72: {  	_ =	shalt  }
0x73: {  	_ =	shalt  }
0x74: {  	_ =	shalt  }
0x75: {  	_ =	shalt  }
0x76: {  	_ =	shalt  }
0x77: {  	_ =	shalt  }
0x78: {  	_ =	shalt  }
0x79: {  	_ =	shalt  }
0x7a: {  	_ =	shalt  }
0x7b: {  	_ =	shalt  }
0x7c: {  	_ =	shalt  }
0x7d: {  	_ =	shalt  }
0x7e: {  	_ =	shalt  }
0x7f: {  	_ =	shalt  }
0x80: {  	_ =	shalt  }
0x81: {  	_ =	shalt  }
0x82: {  	_ =	shalt  }
0x83: {  	_ =	shalt  }
0x84: {  	_ =	shalt  }
0x85: {  	_ =	shalt  }
0x86: {  	_ =	shalt  }
0x87: {  	_ =	shalt  }
.Lfunc_end0:
.L_simem_size_0:
called_computation_lowered:
.L_overlay_start_0:
0x88: {  	s2 =	sld [smem:$0x3FD9]  }
0x89: {  	s3 =	sld [smem:$0x3FFE];
	_ =	sdelay $0x1  }
0x8a: {  	s1 =	srdreg.scid  }
0x8b: {  	s0 =	sand.u32 $0x1, s1  }
0x8c: {  	s14 =	sshll.u32 s0, $0xA;
	s2 =	sadd.s32 s3, s2  }
0x8d: {  	s2 =	sadd.s32 s2, s14  }
0x8e: {  	[smem:$0x3FC2] =	sst s2  }
0x8f: {  	_ = 	snop  }
0x90: {  	s2 =	sld [smem:$0x3FD0]  }
0x91: {  	s15 =	sld [smem:$0x3FC7]  }
0x92: {  	s4 =	sld [smem:$0x3FC6]  }
0x93: {  	s6 =	simm.s32 $0xA;
	s7 =	simm.s32 $0x10;
	s5 =	sld [smem:$0x3FC5]  }
0x94: {  	[smem:s7], [sflag:s6] =	dma.local [hbm:s2], $0x1  }
0x95: {  	_ =	swait.eq [sflag:s6], $0x1  }
0x96: {  	[sflag:s6] =	ssyncset.done $0x0  }
0x97: {  	s16 =	sld [smem:$0x11];
	[sflag:s6] =	ssyncadd.s32 $0xFFFFFFFF  }
0x98: {  	s17 =	sld [smem:$0x12];
	(tm) =	ssettm $0x1  }
0x99: {  	s18 =	sld [smem:$0x3FFB];
	_ =	sdelay $0x3  }
0x9a: {  	_ =	strace s18  }
0x9b: {  	s7 =	sld [smem:$0x3FFC];
	_ =	sdelay $0x3  }
0x9c: {  	_ =	strace s7  }
0x9d: {  	s7 =	sld [smem:$0x3FFD];
	_ =	sdelay $0x3  }
0x9e: {  	_ =	strace s7  }
0x9f: {  	_ =	strace $0x8FFFFFFF  }
0xa0: {  	s19 =	sld [smem:$0x3FDB];
	_ =	sdelay $0x1  }
0xa1: {  	s8 =	simm.s32 $_scs_section_size  }
0xa2: {  	s9 =	simm.s32 $_size__tile_overlayer_lowered;
	s10 =	simm.s32 $_tile_overlayer_lowered  }
0xa3: {  	s22 =	simm.s32 $0x1BFF;
	s21 =	sshll.u32 s10, $0x1;
	s7 =	sadd.s32 s8, s19  }
0xa4: {  	s11 =	simm.s32 $0x0;
	s20 =	sshll.u32 s9, $0x1;
	s9 =	sadd.s32 s21, s7  }
0xa5: {  	[timem:s11], [sflag:s22] =	dma.local [hbm:s9], s20  }
0xa6: {  	_ =	swait.ge [sflag:s22], s20  }
0xa7: {  	s8 =	ssub.s32 $0x0, s20;
	[sflag:s22] =	ssyncset.done $0x0  }
0xa8: {  	[sflag:s22] =	ssyncadd.s32 s8;
	_ =	sdelay $0x1  }
0xa9: {  	s23 =	simm.s32 $0x1B8B  }
0xaa: {  	_ =	swait.ge [sflag:s23], $0x1  }
0xab: {  	[sflag:s23] =	ssyncset.done $0x0  }
0xac: {  	s25 =	simm.s32 $0x1B8E;
	s24 =	sld [smem:$0x3FFE];
	[sflag:s23] =	ssyncadd.s32 $0xFFFFFFFF  }
0xad: {  	s26 =	simm.s32 $execute0_lowered;
	[smem:$0x3FD2] =	sst s25  }
0xae: {  	s9 =	sshll.u32 s26, $0x1;
	_ =	strace $0x80000046;
	[dreg:$0x1] =	wrdreg $0xFFFFFFFF  }
0xaf: {  	s28 =	simm.s32 $_size_execute0_lowered;
	s7 =	sadd.s32 s7, s9;
	[dreg:$0x0] =	wrdreg $0x0  }
0xb0: {  	s9 =	sshll.u32 s28, $0x1;
	[dreg:$0x2] =	wrdreg s7  }
0xb1: {  	[dreg:$0x3] =	wrdreg s9  }
0xb2: {  	[dreg:$0x4] =	wrdreg $0xC0  }
0xb3: {  	_ =	task [dreg:s11], $0x5FFFF  }
0xb4: {  	[dreg:$0x1] =	wrdreg $0xFFFFFFFF  }
0xb5: {  	[dreg:$0x0] =	wrdreg $0x60  }
0xb6: {  	[dreg:$0x2] =	wrdreg s15  }
0xb7: {  	[dreg:$0x3] =	wrdreg s24  }
0xb8: {  	[dreg:$0x4] =	wrdreg s4  }
0xb9: {  	[dreg:$0x5] =	wrdreg s5  }
0xba: {  	[dreg:$0x6] =	wrdreg s16  }
0xbb: {  	[dreg:$0x7] =	wrdreg s17  }
0xbc: {  	[dreg:$0x8] =	wrdreg $0x9  }
0xbd: {  	_ =	task.clear_ibuf [dreg:s11], $0x9FFFF;
	_ =	strace $0x90000046  }
0xbe: {  	s29 =	simm.s32 $0x9;
	_ =	strace $0x80000048  }
0xbf: {  	_ =	swait.ge [sflag:s29], $0x1  }
0xc0: {  	[sflag:s29] =	ssyncadd.s32 $0xFFFFFFFF  }
0xc1: {  	_ =	strace $0x90000048  }
0xc2: {  	_ =	sfence  }
0xc3: {  	s30 =	sld [smem:$0x0];
	_ =	sdelay $0x2  }
0xc4: {  	s31 =	sshll.u32 s1, $0xD;
	s1 =	sshrl.u32 s1, $0x2  }
0xc5: {  	s3 =	sand.u32 $0x4000, s31;
	s1 =	sadd.s32 s1, s30  }
0xc6: {  	s0 =	sor.u32 s3, s0;
	s1 =	sshll.u32 s1, $0x11  }
0xc7: {  	s0 =	sor.u32 s1, s0  }
0xc8: {  	s0 =	sadd.s32 $0x8F2B, s0  }
0xc9: {  	[sflag:s0] =	ssyncadd.remote.s32 $0x1  }
0xca: {  	_ =	sfence.sel $0xFFFF  }
0xcb: {  	[dreg:$0x0] =	wrdreg $0xFFFFFFFF;
	(pc) =	sbr.abs _section_cstart, $3  }
0xcc: {  	[dreg:$0x1] =	wrdreg $0xFFFFFFFF  }
0xcd: {  	_ =	task.clear_ibuf [dreg:s11], $0x2FFFF;
	_ =	strace $0x9FFFFFFF  }
0xce: {  	(tm) =	ssettm $0x7FFFFFFF  }
0xcf: {  	_ =	shalt  }
tec
execute0_lowered:
.L_overlay_start_1:
0x0: {  	(tag) =	ssettag $0x1  }
0x1: {  	s6 =	rddreg [dreg:$0x0]  }
0x2: {  	s9 =	rddreg [dreg:$0x1]  }
0x3: {  	s1 =	srdreg.scid;
	s2 =	rddreg [dreg:$0x2]  }
0x4: {  	s0 =	stileid.u32;
	s7 =	rddreg [dreg:$0x3]  }
0x5: {  	s4 =	rddreg [dreg:$0x4];
	s10 =	sand.u32 $0x1, s1;
	s24 =	sshll.u32 s0, $0x1  }
0x6: {  	[dreg:$0x7] =	wrdreg s2;
	s8 =	sor.u32 s10, s24  }
0x7: {  	s2 =	rddreg [dreg:$0x5];
	p1 =	seq.s32 s10, $0x1;
	p0 =	seq.s32 s8, $0x0  }
0x8: {  	s3 =	simm.s32 $0x0;
	s1 =	rddreg [dreg:$0x6];
	p0 =	por !p0, !p1  }
0x9: {  	s5 =	simm.s32 $0x1;
	[smem:$0x7FF] =	sst s3;
	p0 =	por !p0, !p0  }
0xa: {  	s15 =	sadd.s32 $0x4E00, s9;
	_ =	strace $0x80000047;
	s5 =	simm.s32 @!p0 $0x0  }
0xb: {  	s11 =	sshll.u32 s10, $0x12;
	s13 =	sshll.u32 s10, $0xF;
	s12 =	ssub.s32 s0, s5  }
0xc: {  	[dreg:$0x8] =	wrdreg s15;
	s10 =	ssub.s32 $0x2, s10;
	s5 =	sshll.u32 s12, $0x13  }
0xd: {  	s15 =	simm.s32 $0x12C00;
	p0 =	por $0x0, $0x0;
	s14 =	sshrl.u32 s5, $0x3  }
0xe: {  	s12 =	sshll.u32 s12, $0xA;
	s11 =	sor.u32 s11, s5;
	s13 =	sor.u32 s13, s14  }
0xf: {  	s12 =	sand.u32 $0x1FFFFC00, s12;
	s14 =	sshrl.u32 s11, $0x3;
	s25 =	sadd.s32 s6, s13  }
0x10: {  	s9 =	sadd.s32 s12, s9;
	s29 =	sadd.s32 s4, s13;
	[dreg:$0x9] =	wrdreg s25  }
0x11: {  	s26 =	sor.u32 $0x1000, s14;
	s9 =	sadd.s32 $0xE00, s9;
	[dreg:$0xb] =	wrdreg s29  }
0x12: {  	s30 =	sor.u32 $0x2000, s14;
	s28 =	sadd.s32 s6, s26;
	[dreg:$0x19] =	wrdreg s9  }
0x13: {  	s11 =	simm.s32 $0x1;
	s31 =	sadd.s32 s6, s30;
	[dreg:$0xa] =	wrdreg s28  }
0x14: {  	s17 =	sor.u32 $0x3000, s14;
	s16 =	sadd.s32 s4, s26;
	[dreg:$0xc] =	wrdreg s31  }
0x15: {  	s21 =	sor.u32 $0x5000, s14;
	s18 =	sadd.s32 s6, s17;
	[dreg:$0xd] =	wrdreg s16  }
0x16: {  	s24 =	sor.u32 $0x6000, s14;
	s13 =	sadd.s32 s4, s30;
	[dreg:$0xe] =	wrdreg s18  }
0x17: {  	s20 =	sadd.s32 s4, s17;
	s22 =	sadd.s32 s6, s21;
	[dreg:$0xf] =	wrdreg s13  }
0x18: {  	s25 =	sadd.s32 s6, s24;
	s26 =	sadd.s32 s4, s21;
	[dreg:$0x11] =	wrdreg s20  }
0x19: {  	s29 =	sshrl.u32 s10, $0x1;
	s17 =	simm.s32 $0x8000;
	[dreg:$0x12] =	wrdreg s22  }
0x1a: {  	s9 =	simm.s32 $0x5;
	s16 =	sor.u32 $0x4000, s14;
	[dreg:$0x14] =	wrdreg s25  }
0x1b: {  	s14 =	sor.u32 $0x7000, s14;
	[dreg:$0x15] =	wrdreg s26;
	s12 =	ssub.s32 s10, s29  }
0x1c: {  	s28 =	sadd.s32 s4, s24;
	s19 =	sadd.s32 s6, s16;
	s31 =	smax.u32 s12, $0x1  }
0x1d: {  	s18 =	simm.s32 $0x2;
	[dreg:$0x10] =	wrdreg s19;
	s19 =	sadd.s32 $0xFFFFFFFF, s31  }
0x1e: {  	s13 =	simm.s32 $0x10000;
	s23 =	sadd.s32 s4, s16;
	p1 =	sne.s32 s19, $0x0  }
.Ltmp0:
0x1f: {  	s6 =	sadd.s32 s6, s14;
	[dreg:$0x17] =	wrdreg s28;
	(pc) =	sbr.rel @!p1 .LBB2_3-.Ltmp0, $4  }
0x20: {  	s30 =	sadd.s32 s4, s14;
	s16 =	simm.s32 $0x3;
	[dreg:$0x13] =	wrdreg s23  }
0x21: {  	s14 =	simm.s32 $0x4;
	s12 =	simm.s32 $0x12400;
	[dreg:$0x16] =	wrdreg s6  }
0x22: {  	[dreg:$0x18] =	wrdreg s30;
	s6 =	sshll.u32 s8, $0xB;
	s8 =	sshll.u32 s8, $0x8  }
0x23: {  	s10 =	sadd.s32 s7, s8;
	s7 =	sadd.s32 s2, s8;
	s8 =	sadd.s32 $0x800, s6  }
0x24: {  	s20 =	rddreg [dreg:$0x9]  }
0x25: {  	[tilespmem:s3], [sflag:$0x1] =	stream.linear.gather [hbm4b:s20+s3], $0x8000, $0x38;
	[tilespmem:$0x12C80] =	vst v63  }
0x26: {  	s21 =	rddreg [dreg:$0xa]  }
0x27: {  	[tilespmem:s17], [sflag:$0x2] =	stream.linear.gather [hbm4b:s21+s3], $0x8000, $0x38;
	[tilespmem:$0x12C80] =	vst v63  }
0x28: {  	_ =	swait.ge [sflag:s11], $0x8000  }
0x29: {  	[sflag:s11] =	ssyncset.done $0x0  }
0x2a: {  	s23 =	rddreg [dreg:$0xb];
	[sflag:s11] =	ssyncadd.s32 $0xFFFF8000  }
0x2b: {  	[hbm4b:s23+s3] =	stream.linear.scatter [tilespmem:s3], [sflag:$0x3], $0x8000, $0x38;
	[tilespmem:$0x12C80] =	vst v63  }
0x2c: {  	_ =	swait.ge [sflag:s16], $0x8000  }
0x2d: {  	[sflag:s16] =	ssyncset.done $0x0  }
0x2e: {  	s24 =	rddreg [dreg:$0xc];
	[sflag:s16] =	ssyncadd.s32 $0xFFFF8000  }
0x2f: {  	[tilespmem:s3], [sflag:$0x1] =	stream.linear.gather [hbm4b:s24+s3], $0x8000, $0x38;
	[tilespmem:$0x12C80] =	vst v63  }
0x30: {  	_ =	swait.ge [sflag:s18], $0x8000  }
0x31: {  	[sflag:s18] =	ssyncset.done $0x0  }
0x32: {  	s25 =	rddreg [dreg:$0xd];
	[sflag:s18] =	ssyncadd.s32 $0xFFFF8000  }
0x33: {  	[hbm4b:s25+s3] =	stream.linear.scatter [tilespmem:s17], [sflag:$0x4], $0x8000, $0x38;
	[tilespmem:$0x12C80] =	vst v63  }
0x34: {  	_ =	swait.ge [sflag:s14], $0x8000  }
0x35: {  	[sflag:s14] =	ssyncset.done $0x0  }
0x36: {  	s26 =	rddreg [dreg:$0xe];
	[sflag:s14] =	ssyncadd.s32 $0xFFFF8000  }
0x37: {  	[tilespmem:s17], [sflag:$0x2] =	stream.linear.gather [hbm4b:s26+s3], $0x8000, $0x38;
	[tilespmem:$0x12C80] =	vst v63  }
0x38: {  	_ =	swait.ge [sflag:s11], $0x8000  }
0x39: {  	[sflag:s11] =	ssyncset.done $0x0  }
0x3a: {  	s28 =	rddreg [dreg:$0xf];
	[sflag:s11] =	ssyncadd.s32 $0xFFFF8000  }
0x3b: {  	[hbm4b:s28+s3] =	stream.linear.scatter [tilespmem:s3], [sflag:$0x3], $0x8000, $0x38;
	[tilespmem:$0x12C80] =	vst v63  }
0x3c: {  	_ =	swait.ge [sflag:s16], $0x8000  }
0x3d: {  	[sflag:s16] =	ssyncset.done $0x0  }
0x3e: {  	s29 =	rddreg [dreg:$0x10];
	[sflag:s16] =	ssyncadd.s32 $0xFFFF8000  }
0x3f: {  	[tilespmem:s3], [sflag:$0x1] =	stream.linear.gather [hbm4b:s29+s3], $0x8000, $0x38;
	[tilespmem:$0x12C80] =	vst v63  }
0x40: {  	_ =	swait.ge [sflag:s18], $0x8000  }
0x41: {  	[sflag:s18] =	ssyncset.done $0x0  }
0x42: {  	s30 =	rddreg [dreg:$0x11];
	[sflag:s18] =	ssyncadd.s32 $0xFFFF8000  }
0x43: {  	[hbm4b:s30+s3] =	stream.linear.scatter [tilespmem:s17], [sflag:$0x4], $0x8000, $0x38;
	[tilespmem:$0x12C80] =	vst v63  }
0x44: {  	_ =	swait.ge [sflag:s14], $0x8000  }
0x45: {  	[sflag:s14] =	ssyncset.done $0x0  }
0x46: {  	s31 =	rddreg [dreg:$0x12];
	[sflag:s14] =	ssyncadd.s32 $0xFFFF8000  }
0x47: {  	[tilespmem:s17], [sflag:$0x2] =	stream.linear.gather [hbm4b:s31+s3], $0x8000, $0x38;
	[tilespmem:$0x12C80] =	vst v63  }
0x48: {  	_ =	swait.ge [sflag:s11], $0x8000  }
0x49: {  	[sflag:s11] =	ssyncset.done $0x0  }
0x4a: {  	s21 =	rddreg [dreg:$0x13];
	[sflag:s11] =	ssyncadd.s32 $0xFFFF8000  }
0x4b: {  	[hbm4b:s21+s3] =	stream.linear.scatter [tilespmem:s3], [sflag:$0x3], $0x8000, $0x38;
	[tilespmem:$0x12C80] =	vst v63  }
0x4c: {  	_ =	swait.ge [sflag:s16], $0x8000  }
0x4d: {  	[sflag:s16] =	ssyncset.done $0x0  }
0x4e: {  	s22 =	rddreg [dreg:$0x14];
	[sflag:s16] =	ssyncadd.s32 $0xFFFF8000  }
0x4f: {  	[tilespmem:s3], [sflag:$0x1] =	stream.linear.gather [hbm4b:s22+s3], $0x8000, $0x38;
	[tilespmem:$0x12C80] =	vst v63  }
0x50: {  	_ =	swait.ge [sflag:s18], $0x8000  }
0x51: {  	[sflag:s18] =	ssyncset.done $0x0  }
0x52: {  	s23 =	rddreg [dreg:$0x15];
	[sflag:s18] =	ssyncadd.s32 $0xFFFF8000  }
0x53: {  	[hbm4b:s23+s3] =	stream.linear.scatter [tilespmem:s17], [sflag:$0x4], $0x8000, $0x38;
	[tilespmem:$0x12C80] =	vst v63  }
0x54: {  	_ =	swait.ge [sflag:s14], $0x8000  }
0x55: {  	[sflag:s14] =	ssyncset.done $0x0  }
0x56: {  	s24 =	rddreg [dreg:$0x16];
	[sflag:s14] =	ssyncadd.s32 $0xFFFF8000  }
0x57: {  	[tilespmem:s17], [sflag:$0x2] =	stream.linear.gather [hbm4b:s24+s3], $0x8000, $0x38;
	[tilespmem:$0x12C80] =	vst v63  }
0x58: {  	_ =	swait.ge [sflag:s11], $0x8000  }
0x59: {  	[sflag:s11] =	ssyncset.done $0x0  }
0x5a: {  	s25 =	rddreg [dreg:$0x17];
	[sflag:s11] =	ssyncadd.s32 $0xFFFF8000  }
0x5b: {  	[hbm4b:s25+s3] =	stream.linear.scatter [tilespmem:s3], [sflag:$0x3], $0x8000, $0x38;
	[tilespmem:$0x12C80] =	vst v63  }
0x5c: {  	_ =	swait.ge [sflag:s18], $0x8000  }
0x5d: {  	[sflag:s18] =	ssyncset.done $0x0  }
0x5e: {  	s26 =	rddreg [dreg:$0x18];
	[sflag:s18] =	ssyncadd.s32 $0xFFFF8000  }
0x5f: {  	[hbm4b:s26+s3] =	stream.linear.scatter [tilespmem:s17], [sflag:$0x4], $0x8000, $0x38;
	[tilespmem:$0x12C80] =	vst v63  }
0x60: {  	_ =	swait.ge [sflag:s16], $0x8000  }
0x61: {  	[sflag:s16] =	ssyncset.done $0x0  }
0x62: {  	[sflag:s16] =	ssyncadd.s32 $0xFFFF8000  }
0x63: {  	_ =	swait.ge [sflag:s14], $0x8000  }
0x64: {  	[sflag:s14] =	ssyncset.done $0x0  }
0x65: {  	s28 =	rddreg [dreg:$0x8];
	[sflag:s14] =	ssyncadd.s32 $0xFFFF8000  }
0x66: {  	[tilespmem:s15], [sflag:$0x5] =	stream.linear.gather [hbm4b:s28+s3], $0x80, $0x38;
	[tilespmem:$0x12C80] =	vst v63  }
0x67: {  	_ =	swait.ge [sflag:s9], $0x80  }
0x68: {  	[sflag:s9] =	ssyncset.done $0x0  }
0x69: {  	[sflag:s9] =	ssyncadd.s32 $0xFFFFFF80  }
0x6a: {  	v0 =	vld [tilespmem:$0x12C00];
	_ =	sdelay $0x2  }
0x6b: {  	s29 =	rddreg [dreg:$0x19]  }
0x6c: {  	[tilespmem:s13], [sflag:$0x5] =	stream.linear.gather [hbm4b:s29+s3], $0x2000, $0x38;
	[tilespmem:$0x12C80] =	vst v63  }
0x6d: {  	_ =	swait.ge [sflag:s9], $0x2000;
	v0 =	vxor.u32 $0x80000000, v0  }
0x6e: {  	(xrf0) =	vmax.scan.msk.u32 $0xffff, v0;
	_ =	sdelay $0x5  }
0x6f: {  	v0, _, _ =	vpop (xrf0)  }
0x70: {  	(v2sf) =	vpush v0, $0xF;
	_ =	sdelay $0xe  }
0x71: {  	s30 =	spop (v2sf)  }
0x72: {  	s31 =	sshll.u32 s30, $0x3  }
0x73: {  	s21 =	sand.u32 $0x7FFFFC00, s31  }
0x74: {  	s21 =	sadd.s32 s5, s21  }
0x75: {  	[sflag:s9] =	ssyncset.done $0x0;
	s21 =	sshrl.u32 s21, $0x3  }
0x76: {  	[sflag:s9] =	ssyncadd.s32 $0xFFFFE000;
	s21 =	sadd.s32 s4, s21  }
0x77: {  	[hbm4b:s21+s3] =	stream.linear.scatter [tilespmem:s13], [sflag:$0x5], $0x2000, $0x38;
	[tilespmem:$0x12C80] =	vst v63  }
0x78: {  	_ =	swait.ge [sflag:s9], $0x2000  }
0x79: {  	[sflag:s9] =	ssyncset.done $0x0  }
0x7a: {  	[sflag:s9] =	ssyncadd.s32 $0xFFFFE000  }
0x7b: {  	[tilespmem:s12], [sflag:$0x5] =	stream.linear.gather [hbm4b:s10+s3], $0x800, $0x38;
	[tilespmem:$0x12C80] =	vst v63  }
0x7c: {  	s21 =	sxor.u32 $0x80000000, s30;
	_ =	swait.ge [sflag:s9], $0x800  }
0x7d: {  	s20 =	sadd.s32 $0x80000400, s30;
	p0 =	sge.s32 s21, s8;
	[sflag:s9] =	ssyncset.done $0x0  }
0x7e: {  	p1 =	sle.s32 @!p0 s20, s6;
	[sflag:s9] =	ssyncadd.s32 $0xFFFFF800  }
0x7f: {  	[hbm4b:s7+s3] =	stream.linear.scatter [tilespmem:s12], [sflag:$0x5], $0x800, $0x38;
	[tilespmem:$0x12C80] =	vst v63  }
0x80: {  	p2 =	por p1, p0;
	_ =	swait.ge [sflag:s9], $0x800  }
0x81: {  	s19 =	sadd.s32 $0xFFFFFFFF, s19;
	s22 =	simm.s32 @!p2 $0x0;
	[sflag:s9] =	ssyncset.done $0x0  }
0x82: {  	s23 =	simm.s32 @!p2 $0x12000;
	s20 =	rddreg [dreg:$0x7];
	[sflag:s9] =	ssyncadd.s32 $0xFFFFF800  }
0x83: {  	[tilespmem:s23], [sflag:$0x5] =	stream.linear.gather @!p2 [hbm4b:s20+s22], $0x400, $0x38;
	[tilespmem:$0x12C80] =	vst v63  }
0x84: {  	p1 =	sne.s32 s19, $0x0;
	s20 =	simm.s32 @!p2 $0x5  }
.Ltmp1:
0x85: {  	s21 =	sshrl.u32 @!p2 s21, $0x3;
	_ =	swait.ge @!p2 [sflag:s20], $0x400;
	(pc) =	sbr.rel @!p1 .LBB2_3-.Ltmp1, $4  }
0x86: {  	s21 =	sand.u32 @!p2 $0x1FFFFFF0, s21;
	[sflag:s20] =	ssyncset.done @!p2 $0x0  }
0x87: {  	s21 =	sadd.s32 @!p2 s2, s21;
	[sflag:s20] =	ssyncadd.s32 @!p2 $0xFFFFFC00  }
0x88: {  	[hbm4b:s21+s22] =	stream.linear.scatter @!p2 [tilespmem:s23], [sflag:$0x5], $0x400, $0x38;
	[tilespmem:$0x12C80] =	vst v63  }
0x89: {  	p0 =	por $0x1, $0x1;
	_ =	swait.ge @!p2 [sflag:s20], $0x400  }
.LBB2_2:
0x8a: {  	[sflag:s20] =	ssyncset.done @!p2 $0x0  }
0x8b: {  	s21 =	rddreg [dreg:$0x9];
	[sflag:s20] =	ssyncadd.s32 @!p2 $0xFFFFFC00  }
0x8c: {  	[tilespmem:s3], [sflag:$0x1] =	stream.linear.gather [hbm4b:s21+s3], $0x8000, $0x38;
	[tilespmem:$0x12C80] =	vst v63  }
0x8d: {  	s22 =	rddreg [dreg:$0xa]  }
0x8e: {  	[tilespmem:s17], [sflag:$0x2] =	stream.linear.gather [hbm4b:s22+s3], $0x8000, $0x38;
	[tilespmem:$0x12C80] =	vst v63  }
0x8f: {  	_ =	swait.ge [sflag:s11], $0x8000  }
0x90: {  	[sflag:s11] =	ssyncset.done $0x0  }
0x91: {  	s23 =	rddreg [dreg:$0xb];
	[sflag:s11] =	ssyncadd.s32 $0xFFFF8000  }
0x92: {  	[hbm4b:s23+s3] =	stream.linear.scatter [tilespmem:s3], [sflag:$0x3], $0x8000, $0x38;
	[tilespmem:$0x12C80] =	vst v63  }
0x93: {  	_ =	swait.ge [sflag:s16], $0x8000  }
0x94: {  	[sflag:s16] =	ssyncset.done $0x0  }
0x95: {  	s24 =	rddreg [dreg:$0xc];
	[sflag:s16] =	ssyncadd.s32 $0xFFFF8000  }
0x96: {  	[tilespmem:s3], [sflag:$0x1] =	stream.linear.gather [hbm4b:s24+s3], $0x8000, $0x38;
	[tilespmem:$0x12C80] =	vst v63  }
0x97: {  	_ =	swait.ge [sflag:s18], $0x8000  }
0x98: {  	[sflag:s18] =	ssyncset.done $0x0  }
0x99: {  	s25 =	rddreg [dreg:$0xd];
	[sflag:s18] =	ssyncadd.s32 $0xFFFF8000  }
0x9a: {  	[hbm4b:s25+s3] =	stream.linear.scatter [tilespmem:s17], [sflag:$0x4], $0x8000, $0x38;
	[tilespmem:$0x12C80] =	vst v63  }
0x9b: {  	_ =	swait.ge [sflag:s14], $0x8000  }
0x9c: {  	[sflag:s14] =	ssyncset.done $0x0  }
0x9d: {  	s26 =	rddreg [dreg:$0xe];
	[sflag:s14] =	ssyncadd.s32 $0xFFFF8000  }
0x9e: {  	[tilespmem:s17], [sflag:$0x2] =	stream.linear.gather [hbm4b:s26+s3], $0x8000, $0x38;
	[tilespmem:$0x12C80] =	vst v63  }
0x9f: {  	_ =	swait.ge [sflag:s11], $0x8000  }
0xa0: {  	[sflag:s11] =	ssyncset.done $0x0  }
0xa1: {  	s28 =	rddreg [dreg:$0xf];
	[sflag:s11] =	ssyncadd.s32 $0xFFFF8000  }
0xa2: {  	[hbm4b:s28+s3] =	stream.linear.scatter [tilespmem:s3], [sflag:$0x3], $0x8000, $0x38;
	[tilespmem:$0x12C80] =	vst v63  }
0xa3: {  	_ =	swait.ge [sflag:s16], $0x8000  }
0xa4: {  	[sflag:s16] =	ssyncset.done $0x0  }
0xa5: {  	s29 =	rddreg [dreg:$0x10];
	[sflag:s16] =	ssyncadd.s32 $0xFFFF8000  }
0xa6: {  	[tilespmem:s3], [sflag:$0x1] =	stream.linear.gather [hbm4b:s29+s3], $0x8000, $0x38;
	[tilespmem:$0x12C80] =	vst v63  }
0xa7: {  	_ =	swait.ge [sflag:s18], $0x8000  }
0xa8: {  	[sflag:s18] =	ssyncset.done $0x0  }
0xa9: {  	s30 =	rddreg [dreg:$0x11];
	[sflag:s18] =	ssyncadd.s32 $0xFFFF8000  }
0xaa: {  	[hbm4b:s30+s3] =	stream.linear.scatter [tilespmem:s17], [sflag:$0x4], $0x8000, $0x38;
	[tilespmem:$0x12C80] =	vst v63  }
0xab: {  	_ =	swait.ge [sflag:s14], $0x8000  }
0xac: {  	[sflag:s14] =	ssyncset.done $0x0  }
0xad: {  	s31 =	rddreg [dreg:$0x12];
	[sflag:s14] =	ssyncadd.s32 $0xFFFF8000  }
0xae: {  	[tilespmem:s17], [sflag:$0x2] =	stream.linear.gather [hbm4b:s31+s3], $0x8000, $0x38;
	[tilespmem:$0x12C80] =	vst v63  }
0xaf: {  	_ =	swait.ge [sflag:s11], $0x8000  }
0xb0: {  	[sflag:s11] =	ssyncset.done $0x0  }
0xb1: {  	s21 =	rddreg [dreg:$0x13];
	[sflag:s11] =	ssyncadd.s32 $0xFFFF8000  }
0xb2: {  	[hbm4b:s21+s3] =	stream.linear.scatter [tilespmem:s3], [sflag:$0x3], $0x8000, $0x38;
	[tilespmem:$0x12C80] =	vst v63  }
0xb3: {  	_ =	swait.ge [sflag:s16], $0x8000  }
0xb4: {  	[sflag:s16] =	ssyncset.done $0x0  }
0xb5: {  	s22 =	rddreg [dreg:$0x14];
	[sflag:s16] =	ssyncadd.s32 $0xFFFF8000  }
0xb6: {  	[tilespmem:s3], [sflag:$0x1] =	stream.linear.gather [hbm4b:s22+s3], $0x8000, $0x38;
	[tilespmem:$0x12C80] =	vst v63  }
0xb7: {  	_ =	swait.ge [sflag:s18], $0x8000  }
0xb8: {  	[sflag:s18] =	ssyncset.done $0x0  }
0xb9: {  	s23 =	rddreg [dreg:$0x15];
	[sflag:s18] =	ssyncadd.s32 $0xFFFF8000  }
0xba: {  	[hbm4b:s23+s3] =	stream.linear.scatter [tilespmem:s17], [sflag:$0x4], $0x8000, $0x38;
	[tilespmem:$0x12C80] =	vst v63  }
0xbb: {  	_ =	swait.ge [sflag:s14], $0x8000  }
0xbc: {  	[sflag:s14] =	ssyncset.done $0x0  }
0xbd: {  	s24 =	rddreg [dreg:$0x16];
	[sflag:s14] =	ssyncadd.s32 $0xFFFF8000  }
0xbe: {  	[tilespmem:s17], [sflag:$0x2] =	stream.linear.gather [hbm4b:s24+s3], $0x8000, $0x38;
	[tilespmem:$0x12C80] =	vst v63  }
0xbf: {  	_ =	swait.ge [sflag:s11], $0x8000  }
0xc0: {  	[sflag:s11] =	ssyncset.done $0x0  }
0xc1: {  	s25 =	rddreg [dreg:$0x17];
	[sflag:s11] =	ssyncadd.s32 $0xFFFF8000  }
0xc2: {  	[hbm4b:s25+s3] =	stream.linear.scatter [tilespmem:s3], [sflag:$0x3], $0x8000, $0x38;
	[tilespmem:$0x12C80] =	vst v63  }
0xc3: {  	_ =	swait.ge [sflag:s18], $0x8000  }
0xc4: {  	[sflag:s18] =	ssyncset.done $0x0  }
0xc5: {  	s26 =	rddreg [dreg:$0x18];
	[sflag:s18] =	ssyncadd.s32 $0xFFFF8000  }
0xc6: {  	[hbm4b:s26+s3] =	stream.linear.scatter [tilespmem:s17], [sflag:$0x4], $0x8000, $0x38;
	[tilespmem:$0x12C80] =	vst v63  }
0xc7: {  	_ =	swait.ge [sflag:s16], $0x8000  }
0xc8: {  	[sflag:s16] =	ssyncset.done $0x0  }
0xc9: {  	[sflag:s16] =	ssyncadd.s32 $0xFFFF8000  }
0xca: {  	_ =	swait.ge [sflag:s14], $0x8000  }
0xcb: {  	[sflag:s14] =	ssyncset.done $0x0  }
0xcc: {  	s28 =	rddreg [dreg:$0x8];
	[sflag:s14] =	ssyncadd.s32 $0xFFFF8000  }
0xcd: {  	[tilespmem:s15], [sflag:$0x5] =	stream.linear.gather [hbm4b:s28+s3], $0x80, $0x38;
	[tilespmem:$0x12C80] =	vst v63  }
0xce: {  	_ =	swait.ge [sflag:s9], $0x80  }
0xcf: {  	[sflag:s9] =	ssyncset.done $0x0  }
0xd0: {  	[sflag:s9] =	ssyncadd.s32 $0xFFFFFF80  }
0xd1: {  	v0 =	vld [tilespmem:$0x12C00];
	_ =	sdelay $0x2  }
0xd2: {  	s29 =	rddreg [dreg:$0x19]  }
0xd3: {  	[tilespmem:s13], [sflag:$0x5] =	stream.linear.gather [hbm4b:s29+s3], $0x2000, $0x38;
	[tilespmem:$0x12C80] =	vst v63  }
0xd4: {  	_ =	swait.ge [sflag:s9], $0x2000;
	v0 =	vxor.u32 $0x80000000, v0  }
0xd5: {  	(xrf0) =	vmax.scan.msk.u32 $0xffff, v0;
	_ =	sdelay $0x5  }
0xd6: {  	v0, _, _ =	vpop (xrf0)  }
0xd7: {  	(v2sf) =	vpush v0, $0xF;
	_ =	sdelay $0xe  }
0xd8: {  	s30 =	spop (v2sf)  }
0xd9: {  	s22 =	sshll.u32 s30, $0x3  }
0xda: {  	s22 =	sand.u32 $0x7FFFFC00, s22  }
0xdb: {  	[sflag:s9] =	ssyncset.done $0x0;
	s21 =	sxor.u32 $0x80000000, s30;
	s22 =	sadd.s32 s5, s22  }
0xdc: {  	s20 =	sadd.s32 $0x80000400, s30;
	p2 =	sge.s32 s21, s8;
	s31 =	sshrl.u32 s22, $0x3  }
0xdd: {  	[sflag:s9] =	ssyncadd.s32 $0xFFFFE000;
	p3 =	sle.s32 @!p2 s20, s6;
	s20 =	sadd.s32 s4, s31  }
0xde: {  	[hbm4b:s20+s3] =	stream.linear.scatter [tilespmem:s13], [sflag:$0x5], $0x2000, $0x38;
	[tilespmem:$0x12C80] =	vst v63  }
0xdf: {  	_ =	swait.ge [sflag:s9], $0x2000  }
0xe0: {  	[sflag:s9] =	ssyncset.done $0x0  }
0xe1: {  	[sflag:s9] =	ssyncadd.s32 $0xFFFFE000  }
0xe2: {  	[tilespmem:s12], [sflag:$0x5] =	stream.linear.gather [hbm4b:s10+s3], $0x800, $0x38;
	[tilespmem:$0x12C80] =	vst v63  }
0xe3: {  	_ =	swait.ge [sflag:s9], $0x800  }
0xe4: {  	[sflag:s9] =	ssyncset.done $0x0  }
0xe5: {  	[sflag:s9] =	ssyncadd.s32 $0xFFFFF800  }
0xe6: {  	[hbm4b:s7+s3] =	stream.linear.scatter [tilespmem:s12], [sflag:$0x5], $0x800, $0x38;
	[tilespmem:$0x12C80] =	vst v63  }
0xe7: {  	p2 =	por p3, p2;
	_ =	swait.ge [sflag:s9], $0x800  }
0xe8: {  	s19 =	sadd.s32 $0xFFFFFFFF, s19;
	s22 =	simm.s32 @!p2 $0x0;
	[sflag:s9] =	ssyncset.done $0x0  }
0xe9: {  	s23 =	simm.s32 @!p2 $0x12000;
	s20 =	rddreg [dreg:$0x7];
	[sflag:s9] =	ssyncadd.s32 $0xFFFFF800  }
0xea: {  	[tilespmem:s23], [sflag:$0x5] =	stream.linear.gather @!p2 [hbm4b:s20+s22], $0x400, $0x38;
	[tilespmem:$0x12C80] =	vst v63  }
0xeb: {  	p1 =	sne.s32 s19, $0x0;
	s20 =	simm.s32 @!p2 $0x5  }
.Ltmp2:
0xec: {  	s21 =	sshrl.u32 @!p2 s21, $0x3;
	_ =	swait.ge @!p2 [sflag:s20], $0x400;
	(pc) =	sbr.rel @p1 .LBB2_2-.Ltmp2, $4  }
0xed: {  	s21 =	sand.u32 @!p2 $0x1FFFFFF0, s21;
	[sflag:s20] =	ssyncset.done @!p2 $0x0  }
0xee: {  	s21 =	sadd.s32 @!p2 s2, s21;
	[sflag:s20] =	ssyncadd.s32 @!p2 $0xFFFFFC00  }
0xef: {  	[hbm4b:s21+s22] =	stream.linear.scatter @!p2 [tilespmem:s23], [sflag:$0x5], $0x400, $0x38;
	[tilespmem:$0x12C80] =	vst v63  }
0xf0: {  	_ =	swait.ge @!p2 [sflag:s20], $0x400  }
.LBB2_3:
0xf1: {  	p0 =	por p2, !p0  }
0xf2: {  	[sflag:s20] =	ssyncset.done @!p0 $0x0  }
0xf3: {  	s19 =	rddreg [dreg:$0x9];
	[sflag:s20] =	ssyncadd.s32 @!p0 $0xFFFFFC00  }
0xf4: {  	[tilespmem:s3], [sflag:$0x1] =	stream.linear.gather [hbm4b:s19+s3], $0x8000, $0x38;
	[tilespmem:$0x12C80] =	vst v63  }
0xf5: {  	s23 =	rddreg [dreg:$0xa]  }
0xf6: {  	[tilespmem:s17], [sflag:$0x2] =	stream.linear.gather [hbm4b:s23+s3], $0x8000, $0x38;
	[tilespmem:$0x12C80] =	vst v63  }
0xf7: {  	_ =	swait.ge [sflag:s11], $0x8000  }
0xf8: {  	[sflag:s11] =	ssyncset.done $0x0  }
0xf9: {  	s24 =	rddreg [dreg:$0xb];
	[sflag:s11] =	ssyncadd.s32 $0xFFFF8000  }
0xfa: {  	[hbm4b:s24+s3] =	stream.linear.scatter [tilespmem:s3], [sflag:$0x3], $0x8000, $0x38;
	[tilespmem:$0x12C80] =	vst v63  }
0xfb: {  	_ =	swait.ge [sflag:s16], $0x8000  }
0xfc: {  	[sflag:s16] =	ssyncset.done $0x0  }
0xfd: {  	s25 =	rddreg [dreg:$0xc];
	[sflag:s16] =	ssyncadd.s32 $0xFFFF8000  }
0xfe: {  	[tilespmem:s3], [sflag:$0x1] =	stream.linear.gather [hbm4b:s25+s3], $0x8000, $0x38;
	[tilespmem:$0x12C80] =	vst v63  }
0xff: {  	_ =	swait.ge [sflag:s18], $0x8000  }
0x100: {  	[sflag:s18] =	ssyncset.done $0x0  }
0x101: {  	s26 =	rddreg [dreg:$0xd];
	[sflag:s18] =	ssyncadd.s32 $0xFFFF8000  }
0x102: {  	[hbm4b:s26+s3] =	stream.linear.scatter [tilespmem:s17], [sflag:$0x4], $0x8000, $0x38;
	[tilespmem:$0x12C80] =	vst v63  }
0x103: {  	_ =	swait.ge [sflag:s14], $0x8000  }
0x104: {  	[sflag:s14] =	ssyncset.done $0x0  }
0x105: {  	s28 =	rddreg [dreg:$0xe];
	[sflag:s14] =	ssyncadd.s32 $0xFFFF8000  }
0x106: {  	[tilespmem:s17], [sflag:$0x2] =	stream.linear.gather [hbm4b:s28+s3], $0x8000, $0x38;
	[tilespmem:$0x12C80] =	vst v63  }
0x107: {  	_ =	swait.ge [sflag:s11], $0x8000  }
0x108: {  	[sflag:s11] =	ssyncset.done $0x0  }
0x109: {  	s29 =	rddreg [dreg:$0xf];
	[sflag:s11] =	ssyncadd.s32 $0xFFFF8000  }
0x10a: {  	[hbm4b:s29+s3] =	stream.linear.scatter [tilespmem:s3], [sflag:$0x3], $0x8000, $0x38;
	[tilespmem:$0x12C80] =	vst v63  }
0x10b: {  	_ =	swait.ge [sflag:s16], $0x8000  }
0x10c: {  	[sflag:s16] =	ssyncset.done $0x0  }
0x10d: {  	s30 =	rddreg [dreg:$0x10];
	[sflag:s16] =	ssyncadd.s32 $0xFFFF8000  }
0x10e: {  	[tilespmem:s3], [sflag:$0x1] =	stream.linear.gather [hbm4b:s30+s3], $0x8000, $0x38;
	[tilespmem:$0x12C80] =	vst v63  }
0x10f: {  	_ =	swait.ge [sflag:s18], $0x8000  }
0x110: {  	[sflag:s18] =	ssyncset.done $0x0  }
0x111: {  	s31 =	rddreg [dreg:$0x11];
	[sflag:s18] =	ssyncadd.s32 $0xFFFF8000  }
0x112: {  	[hbm4b:s31+s3] =	stream.linear.scatter [tilespmem:s17], [sflag:$0x4], $0x8000, $0x38;
	[tilespmem:$0x12C80] =	vst v63  }
0x113: {  	_ =	swait.ge [sflag:s14], $0x8000  }
0x114: {  	[sflag:s14] =	ssyncset.done $0x0  }
0x115: {  	s20 =	rddreg [dreg:$0x12];
	[sflag:s14] =	ssyncadd.s32 $0xFFFF8000  }
0x116: {  	[tilespmem:s17], [sflag:$0x2] =	stream.linear.gather [hbm4b:s20+s3], $0x8000, $0x38;
	[tilespmem:$0x12C80] =	vst v63  }
0x117: {  	_ =	swait.ge [sflag:s11], $0x8000  }
0x118: {  	[sflag:s11] =	ssyncset.done $0x0  }
0x119: {  	s21 =	rddreg [dreg:$0x13];
	[sflag:s11] =	ssyncadd.s32 $0xFFFF8000  }
0x11a: {  	[hbm4b:s21+s3] =	stream.linear.scatter [tilespmem:s3], [sflag:$0x3], $0x8000, $0x38;
	[tilespmem:$0x12C80] =	vst v63  }
0x11b: {  	_ =	swait.ge [sflag:s16], $0x8000  }
0x11c: {  	[sflag:s16] =	ssyncset.done $0x0  }
0x11d: {  	s22 =	rddreg [dreg:$0x14];
	[sflag:s16] =	ssyncadd.s32 $0xFFFF8000  }
0x11e: {  	[tilespmem:s3], [sflag:$0x1] =	stream.linear.gather [hbm4b:s22+s3], $0x8000, $0x38;
	[tilespmem:$0x12C80] =	vst v63  }
0x11f: {  	_ =	swait.ge [sflag:s18], $0x8000  }
0x120: {  	[sflag:s18] =	ssyncset.done $0x0  }
0x121: {  	s23 =	rddreg [dreg:$0x15];
	[sflag:s18] =	ssyncadd.s32 $0xFFFF8000  }
0x122: {  	[hbm4b:s23+s3] =	stream.linear.scatter [tilespmem:s17], [sflag:$0x4], $0x8000, $0x38;
	[tilespmem:$0x12C80] =	vst v63  }
0x123: {  	_ =	swait.ge [sflag:s14], $0x8000  }
0x124: {  	[sflag:s14] =	ssyncset.done $0x0  }
0x125: {  	s24 =	rddreg [dreg:$0x16];
	[sflag:s14] =	ssyncadd.s32 $0xFFFF8000  }
0x126: {  	[tilespmem:s17], [sflag:$0x2] =	stream.linear.gather [hbm4b:s24+s3], $0x8000, $0x38;
	[tilespmem:$0x12C80] =	vst v63  }
0x127: {  	_ =	swait.ge [sflag:s11], $0x8000  }
0x128: {  	[sflag:s11] =	ssyncset.done $0x0  }
0x129: {  	s25 =	rddreg [dreg:$0x17];
	[sflag:s11] =	ssyncadd.s32 $0xFFFF8000  }
0x12a: {  	[hbm4b:s25+s3] =	stream.linear.scatter [tilespmem:s3], [sflag:$0x3], $0x8000, $0x38;
	[tilespmem:$0x12C80] =	vst v63  }
0x12b: {  	_ =	swait.ge [sflag:s18], $0x8000  }
0x12c: {  	[sflag:s18] =	ssyncset.done $0x0  }
0x12d: {  	s26 =	rddreg [dreg:$0x18];
	[sflag:s18] =	ssyncadd.s32 $0xFFFF8000  }
0x12e: {  	[hbm4b:s26+s3] =	stream.linear.scatter [tilespmem:s17], [sflag:$0x4], $0x8000, $0x38;
	[tilespmem:$0x12C80] =	vst v63  }
0x12f: {  	_ =	swait.ge [sflag:s16], $0x8000  }
0x130: {  	[sflag:s16] =	ssyncset.done $0x0  }
0x131: {  	[sflag:s16] =	ssyncadd.s32 $0xFFFF8000  }
0x132: {  	_ =	swait.ge [sflag:s14], $0x8000  }
0x133: {  	[sflag:s14] =	ssyncset.done $0x0  }
0x134: {  	s28 =	rddreg [dreg:$0x8];
	[sflag:s14] =	ssyncadd.s32 $0xFFFF8000  }
0x135: {  	[tilespmem:s15], [sflag:$0x5] =	stream.linear.gather [hbm4b:s28+s3], $0x80, $0x38;
	[tilespmem:$0x12C80] =	vst v63  }
0x136: {  	_ =	swait.ge [sflag:s9], $0x80  }
0x137: {  	[sflag:s9] =	ssyncset.done $0x0  }
0x138: {  	[sflag:s9] =	ssyncadd.s32 $0xFFFFFF80  }
0x139: {  	v0 =	vld [tilespmem:$0x12C00];
	_ =	sdelay $0x2  }
0x13a: {  	s29 =	rddreg [dreg:$0x19]  }
0x13b: {  	[tilespmem:s13], [sflag:$0x5] =	stream.linear.gather [hbm4b:s29+s3], $0x2000, $0x38;
	[tilespmem:$0x12C80] =	vst v63  }
0x13c: {  	_ =	swait.ge [sflag:s9], $0x2000;
	v0 =	vxor.u32 $0x80000000, v0  }
0x13d: {  	(xrf0) =	vmax.scan.msk.u32 $0xffff, v0;
	_ =	sdelay $0x5  }
0x13e: {  	v0, _, _ =	vpop (xrf0)  }
0x13f: {  	(v2sf) =	vpush v0, $0xF;
	_ =	sdelay $0xe  }
0x140: {  	s30 =	spop (v2sf)  }
0x141: {  	s31 =	sshll.u32 s30, $0x3  }
0x142: {  	s14 =	sand.u32 $0x7FFFFC00, s31  }
0x143: {  	s5 =	sadd.s32 s5, s14  }
0x144: {  	[sflag:s9] =	ssyncset.done $0x0;
	s5 =	sshrl.u32 s5, $0x3  }
0x145: {  	[sflag:s9] =	ssyncadd.s32 $0xFFFFE000;
	s4 =	sadd.s32 s4, s5  }
0x146: {  	[hbm4b:s4+s3] =	stream.linear.scatter [tilespmem:s13], [sflag:$0x5], $0x2000, $0x38;
	[tilespmem:$0x12C80] =	vst v63  }
0x147: {  	_ =	swait.ge [sflag:s9], $0x2000  }
0x148: {  	[sflag:s9] =	ssyncset.done $0x0  }
0x149: {  	[sflag:s9] =	ssyncadd.s32 $0xFFFFE000  }
0x14a: {  	[tilespmem:s12], [sflag:$0x5] =	stream.linear.gather [hbm4b:s10+s3], $0x800, $0x38;
	[tilespmem:$0x12C80] =	vst v63  }
0x14b: {  	_ =	swait.ge [sflag:s9], $0x800  }
0x14c: {  	[sflag:s9] =	ssyncset.done $0x0  }
0x14d: {  	s4 =	sxor.u32 $0x80000000, s30;
	[sflag:s9] =	ssyncadd.s32 $0xFFFFF800  }
0x14e: {  	[hbm4b:s7+s3] =	stream.linear.scatter [tilespmem:s12], [sflag:$0x5], $0x800, $0x38;
	[tilespmem:$0x12C80] =	vst v63  }
0x14f: {  	p0 =	sge.s32 s4, s8;
	s3 =	sadd.s32 $0x80000400, s30  }
0x150: {  	_ =	swait.ge [sflag:s9], $0x800;
	p1 =	sle.s32 @!p0 s3, s6  }
0x151: {  	s3 =	rddreg [dreg:$0x7];
	[sflag:s9] =	ssyncset.done $0x0;
	p0 =	por p1, p0  }
0x152: {  	[sflag:s9] =	ssyncadd.s32 $0xFFFFF800;
	s5 =	simm.s32 @!p0 $0x0;
	s6 =	simm.s32 @!p0 $0x12000  }
0x153: {  	[tilespmem:s6], [sflag:$0x5] =	stream.linear.gather @!p0 [hbm4b:s3+s5], $0x400, $0x38;
	[tilespmem:$0x12C80] =	vst v63  }
0x154: {  	s3 =	simm.s32 @!p0 $0x5  }
0x155: {  	s4 =	sshrl.u32 @!p0 s4, $0x3;
	_ =	swait.ge @!p0 [sflag:s3], $0x400  }
0x156: {  	s4 =	sand.u32 @!p0 $0x1FFFFFF0, s4;
	[sflag:s3] =	ssyncset.done @!p0 $0x0  }
0x157: {  	s2 =	sadd.s32 @!p0 s2, s4;
	[sflag:s3] =	ssyncadd.s32 @!p0 $0xFFFFFC00  }
0x158: {  	[hbm4b:s2+s5] =	stream.linear.scatter @!p0 [tilespmem:s6], [sflag:$0x5], $0x400, $0x38;
	[tilespmem:$0x12C80] =	vst v63  }
0x159: {  	_ =	swait.ge @!p0 [sflag:s3], $0x400  }
0x15a: {  	[sflag:s3] =	ssyncset.done @!p0 $0x0  }
0x15b: {  	[sflag:s3] =	ssyncadd.s32 @!p0 $0xFFFFFC00  }
0x15c: {  	_ =	sfence.sel $0x180000  }
0x15d: {  	[bflag:$0x0] =	sbarrier.arrive $0xFFFF  }
0x15e: {  	p0 =	sne.s32 s0, $0x0;
	_ =	strace $0x90000047  }
0x15f: {  	s0 =	sadd.s32 @!p0 $0x100000, s1;
	[bflag:$0x2] =	sbarrier.arrive $0xFFFF  }
0x160: {  	[sflag:s0] =	ssyncadd.tile.s32 @!p0 $0x1;
	_ =	shalt  }
.Lfunc_end2:
_tile_overlayer_lowered:
.L_overlay_start_2:
0x161: {  	(tag) =	ssettag $0x2  }
0x162: {  	s0 =	rddreg [dreg:$0x0];
	s2 =	stileid.u32  }
0x163: {  	s1 =	rddreg [dreg:$0x1];
	p0 =	sne.s32 s2, $0x0  }
0x164: {  	s3 =	rddreg [dreg:$0x2];
	[bflag:$0x3] =	sbarrier.arrive $0xFFFF;
	s2 =	simm.s32 @!p0 $0x1C06  }
0x165: {  	[timem:s3], [sflag:s2] =	dma.local @!p0 [hbm:s0], s1  }
0x166: {  	s0 =	simm.s32 @!p0 $0x6  }
0x167: {  	_ =	swait.ge @!p0 [sflag:s0], s1  }
0x168: {  	s1 =	ssub.s32 @!p0 $0x0, s1;
	[sflag:s0] =	ssyncset.done @!p0 $0x0  }
0x169: {  	[sflag:s0] =	ssyncadd.s32 @!p0 s1  }
0x16a: {  	[bflag:$0x3] =	sbarrier.arrive $0xFFFF  }
0x16b: {  	_ =	shalt  }

</sc_bundles>
